<compile_context>
chip_gen: v7x
topology: tpu7x:2x2x1
jax: 0.10.2.dev20260603
libtpu: 0.0.44.dev20260713+nightly
codegen_flags: <defaults>
</compile_context>

<pallas_src>
import dataclasses

import jax
import jax.numpy as jnp
import numpy as np
from jax import lax
from jax.experimental import pallas as pl
from jax.experimental.pallas import tpu as pltpu
from jax.experimental.pallas import tpu_sc as plsc

TEMP = np.float32(0.7)
TOPP = np.float32(0.9)
K = 50
ROWS = 128
VOCAB = 100000
CHUNK = 400
CHUNK_V = CHUNK // 16
NCHUNK = VOCAB // CHUNK
CAND_CAP = 2048
NTILES = 32
ROWS_PER = ROWS // NTILES

NEG = np.float32(-np.inf)


def _neg_vec():
    return jnp.full((16,), NEG, jnp.float32)


def _scalar_store(ref, idx, val, lanes):
    g = (idx // 16) * 16
    v = ref[pl.ds(g, 16)]
    ref[pl.ds(g, 16)] = jnp.where(lanes == idx - g, val, v)


def _splat(x):
    return x if getattr(x, "ndim", 0) else jnp.full((16,), x)


def _sc_body(logits_hbm, noise_hbm, out_hbm,
             rowbuf, cand, chmax, hotlist, topbuf, noisebuf, cdfbuf, outbuf,
             sem):
    wid = lax.axis_index("s") * 2 + lax.axis_index("c")
    lanes = lax.iota(jnp.int32, 16)
    falsev = lanes < 0

    outbuf[pl.ds(0, 16)] = jnp.zeros((16,), jnp.float32)

    @pl.loop(0, ROWS_PER)
    def _row(i):
        r = wid * ROWS_PER + i
        pltpu.sync_copy(logits_hbm.at[r], rowbuf)
        pltpu.sync_copy(noise_hbm.at[r], noisebuf)

        chmax[pl.ds(240, 16)] = _neg_vec()

        @pl.loop(0, NCHUNK)
        def _ch(c):
            vs = [rowbuf[pl.ds(c * CHUNK + j * 16, 16)] for j in range(CHUNK_V)]
            while len(vs) > 1:
                vs = [jnp.maximum(vs[k], vs[k + 1]) for k in range(0, len(vs) - 1, 2)] \
                     + ([vs[-1]] if len(vs) % 2 else [])
            _scalar_store(chmax, c, jnp.max(vs[0]), lanes)

        cvecs = tuple(chmax[pl.ds(j * 16, 16)] for j in range(16))

        def ext_thresh(t, carry):
            vs = list(carry[:16])
            ws = list(vs)
            while len(ws) > 1:
                ws = [jnp.maximum(ws[k], ws[k + 1]) for k in range(0, len(ws) - 1, 2)] \
                     + ([ws[-1]] if len(ws) % 2 else [])
            s = jnp.max(ws[0])

            done = falsev
            idacc = jnp.zeros((16,), jnp.int32)
            out = []
            for j in range(16):
                f = _splat(plsc.all_reduce_ffs(vs[j] == s))
                hit = f < 16
                sel = jnp.logical_and(jnp.logical_not(done), hit)
                out.append(jnp.where(jnp.logical_and(sel, lanes == f), NEG, vs[j]))
                idacc = jnp.where(sel, jnp.int32(16 * j) + f, idacc)
                done = jnp.logical_or(done, hit)

            g = (t // 16) * 16
            hv = hotlist[pl.ds(g, 16)]
            hotlist[pl.ds(g, 16)] = jnp.where(lanes == t - g, idacc, hv)
            return tuple(out) + (s,)

        res = lax.fori_loop(0, K, ext_thresh, cvecs + (NEG,))
        t0 = res[16]

        def chunk_body(t, cnt):
            g = (t // 16) * 16
            hv = hotlist[pl.ds(g, 16)]
            cid = jnp.max(jnp.where(lanes == t - g, hv, 0))
            base = cid * CHUNK
            for lo in range(0, CHUNK_V, 3):
                hi = min(lo + 3, CHUNK_V)
                vs, ms, ps, ns = [], [], [], []
                for j in range(lo, hi):
                    v = rowbuf[pl.ds(base + j * 16, 16)]
                    msk = v >= t0
                    mi = jnp.where(msk, jnp.int32(1), jnp.int32(0))
                    vs.append(v)
                    ms.append(msk)
                    ps.append(plsc.cumsum(mi) - mi)
                    ns.append(_splat(plsc.all_reduce_population_count(msk)))
                for k in range(hi - lo):
                    idx = jnp.minimum(cnt + ps[k], CAND_CAP - 1)
                    plsc.store_scatter(cand, [idx], vs[k], mask=ms[k])
                    cnt = cnt + ns[k]
            return cnt

        cnt_v = lax.fori_loop(0, K, chunk_body, jnp.zeros((16,), jnp.int32))
        cnt = jnp.minimum(jnp.max(cnt_v), CAND_CAP - 16)
        cand[pl.ds(cnt, 16)] = _neg_vec()
        nv = (cnt + 15) // 16

        topbuf[pl.ds(48, 16)] = _neg_vec()

        def ext_top(t, _):
            def mx(j, m):
                return jnp.maximum(m, cand[pl.ds(j * 16, 16)])
            m = lax.fori_loop(0, nv, mx, _neg_vec())
            s = jnp.max(m)
            _scalar_store(topbuf, t, s, lanes)

            def clr(j, done):
                v = cand[pl.ds(j * 16, 16)]
                f = _splat(plsc.all_reduce_ffs(v == s))
                hit = f < 16
                sel = jnp.logical_and(jnp.logical_not(done), hit)
                cand[pl.ds(j * 16, 16)] = jnp.where(
                    jnp.logical_and(sel, lanes == f), NEG, v)
                return jnp.logical_or(done, hit)

            lax.fori_loop(0, nv, clr, falsev)
            return 0

        lax.fori_loop(0, K, ext_top, 0)

        vvecs = []
        pvecs = []
        for j in range(4):
            v = topbuf[pl.ds(j * 16, 16)] / TEMP
            vvecs.append(v)
            if j == 0:
                vmax = v[0]
            pvecs.append(jnp.exp(v - vmax))
        z = jnp.sum(pvecs[0] + pvecs[1] + pvecs[2] + pvecs[3])

        carry = jnp.float32(0)
        for j in range(4):
            c = plsc.cumsum(pvecs[j] / z) + carry
            cdfbuf[pl.ds(1 + j * 16, 16)] = c
            carry = jnp.max(c)

        smax = NEG
        svecs = []
        for j in range(4):
            sh = cdfbuf[pl.ds(j * 16, 16)]
            g = noisebuf[pl.ds(j * 16, 16)]
            mk = sh < TOPP
            if j == 0:
                mk = jnp.logical_or(mk, lanes == 0)
            sc = jnp.where(mk, vvecs[j] + g, NEG)
            svecs.append(sc)
            smax = jnp.maximum(smax, jnp.max(sc))

        w = jnp.int32(9999)
        for j in range(4):
            fs = jnp.min(_splat(plsc.all_reduce_ffs(svecs[j] == smax)))
            idx = jnp.where(fs < 16, jnp.int32(j * 16) + fs, jnp.int32(9999))
            w = jnp.minimum(w, idx)

        g0 = (w // 16) * 16
        vw = topbuf[pl.ds(g0, 16)] / TEMP
        _scalar_store(outbuf, i, jnp.max(jnp.where(lanes == w - g0, vw, NEG)), lanes)

    pltpu.sync_copy(outbuf, out_hbm.at[wid])


@jax.jit
def kernel(logits):
    noise = jax.random.gumbel(jax.random.key(42), (ROWS, K), jnp.float32)
    noise = jnp.concatenate([noise, jnp.zeros((ROWS, 14), jnp.float32)], axis=-1)
    mesh = plsc.VectorSubcoreMesh(core_axis_name="c", subcore_axis_name="s")
    cp = pltpu.CompilerParams()
    if "needs_layout_passes" in pltpu.CompilerParams.__dataclass_fields__:
        cp = dataclasses.replace(cp, needs_layout_passes=False)
    fn = pl.kernel(
        _sc_body,
        out_type=jax.ShapeDtypeStruct((NTILES, 16), jnp.float32),
        mesh=mesh,
        compiler_params=cp,
        scratch_types=[
            pltpu.VMEM((VOCAB,), jnp.float32),
            pltpu.VMEM((CAND_CAP,), jnp.float32),
            pltpu.VMEM((256,), jnp.float32),
            pltpu.VMEM((64,), jnp.int32),
            pltpu.VMEM((64,), jnp.float32),
            pltpu.VMEM((64,), jnp.float32),
            pltpu.VMEM((80,), jnp.float32),
            pltpu.VMEM((16,), jnp.float32),
            pltpu.SemaphoreType.DMA,
        ],
    )
    res = fn(logits, noise)
    return res[:, :ROWS_PER].reshape(ROWS, 1)

# --- scband reference (transcript-rebuilt; emitter-appended) ---
"""Pipeline reference for scband-sampler-40836549050652 (READ-ONLY COPY).

The authoritative reference and input builder live on the scoring server;
editing this copy changes nothing except your own understanding.
"""

import jax, jax.numpy as jnp
import numpy as np

TEMPERATURE = 0.7
TOP_K = 50
TOP_P = 0.9


def setup_inputs(seed: int = 0) -> dict:
    key = jax.random.key(seed)
    logits = jax.random.normal(key, (128, 100000), dtype=jnp.float32)
    return {"logits": logits}


def reference(logits):
    # logits = logits.div_(temperature)
    logits = logits / TEMPERATURE
    # top_k: argsort descending, keep first k indices, gather
    k = min(TOP_K, logits.shape[-1])
    desc_idx = jnp.argsort(-logits, axis=-1)
    topk_idx = desc_idx[..., :k]
    logits_k = jnp.take_along_axis(logits, topk_idx, axis=-1)
    # top_p (nucleus) on the top-k filtered logits
    probs = jax.nn.softmax(logits_k, axis=-1)
    sorted_idx = jnp.argsort(-logits_k, axis=-1)
    sorted_probs = jnp.take_along_axis(probs, sorted_idx, axis=-1)
    cdf = jnp.cumsum(sorted_probs, axis=-1)
    mask = cdf < TOP_P
    # shift mask right by one, force first position True
    mask = jnp.concatenate([jnp.ones_like(mask[..., :1]), mask[..., :-1]], axis=-1)
    filtered = sorted_probs * mask
    filtered = filtered / jnp.sum(filtered, axis=-1, keepdims=True)
    # multinomial(filtered, 1) -> categorical over log-probs
    logp = jnp.where(filtered > 0, jnp.log(jnp.maximum(filtered, 1e-38)), -jnp.inf)
    skey = jax.random.key(42)
    sampled_sorted = jax.random.categorical(skey, logp, axis=-1)[..., None]
    next_token_index = jnp.take_along_axis(sorted_idx, sampled_sorted, axis=-1)
    # final gather: logits = logits.gather(index=top_p_indices, dim=-1)
    final = jnp.take_along_axis(logits_k, next_token_index, axis=-1)
    return final

if __name__ == "__main__":
    import jax
    _d = setup_inputs()
    print(jax.jit(kernel)(*tuple(_d.values())))

</pallas_src>

<mosaic_0001>
#map = affine_map<(d0, d1) -> (0, 0)>
module attributes {stable_mosaic.version = 14 : i64} {
  func.func @_sc_body(%arg0: i32, %arg1: i32, %arg2: memref<128x100000xf32, #tpu.memory_space<hbm>>, %arg3: memref<128x64xf32, #tpu.memory_space<hbm>>, %arg4: memref<32x16xf32, #tpu.memory_space<hbm>>, %arg5: memref<100000xf32, #tpu.memory_space<vmem>>, %arg6: memref<2048xf32, #tpu.memory_space<vmem>>, %arg7: memref<256xf32, #tpu.memory_space<vmem>>, %arg8: memref<64xi32, #tpu.memory_space<vmem>>, %arg9: memref<64xf32, #tpu.memory_space<vmem>>, %arg10: memref<64xf32, #tpu.memory_space<vmem>>, %arg11: memref<80xf32, #tpu.memory_space<vmem>>, %arg12: memref<16xf32, #tpu.memory_space<vmem>>, %arg13: memref<!tpu.dma_semaphore, #tpu.memory_space<semaphore_mem>>) attributes {dimension_semantics = [#tpu.dimension_semantics<core_parallel>, #tpu.dimension_semantics<subcore_parallel>], iteration_bounds = array<i64: 2, 16>, scalar_prefetch = 0 : i64, scratch_operands = 9 : i64, tpu.core_type = #tpu.core_type<sc_vector_subcore>, window_params = [{transform_indices = #map}, {transform_indices = #map}, {transform_indices = #map}]} {
    %mul3A = arith.constant 2 : i32
    %mul3A_0 = arith.muli %arg1, %mul3A : i32
    %add3A = arith.addi %mul3A_0, %arg0 : i32
    %iota3A = tpu.iota {dimensions = array<i32: 0>} : vector<16xi32>
    %lt3A = arith.constant 0 : i32
    %lt3A_1 = vector.broadcast %lt3A : i32 to vector<16xi32>
    %lt3A_2 = arith.cmpi slt, %iota3A, %lt3A_1 : vector<16xi32>
    %broadcast_in_dim3A = arith.constant 0.000000e+00 : f32
    %broadcast_in_dim3A_3 = vector.broadcast %broadcast_in_dim3A : f32 to vector<16xf32>
    %swap3A = arith.constant 0 : index
    %swap3A_4 = tpu.vector_load %arg12[%swap3A] {strides = array<i32>} : memref<16xf32, #tpu.memory_space<vmem>>, vector<16xf32>,
    tpu.vector_store %arg12[%swap3A], %broadcast_in_dim3A_3 {strides = array<i32>} : memref<16xf32, #tpu.memory_space<vmem>>, vector<16xf32>,
    %scan3A = arith.constant 0 : i32
    %scan3A_5 = arith.constant 4 : i32
    %scan3A_6 = arith.addi %scan3A, %scan3A_5 : i32
    %scan3A_7 = arith.constant 1 : i32
    scf.for %scan3A_9 = %scan3A to %scan3A_6 step %scan3A_7  : i32 {
      %mul3A_10 = arith.constant 1 : i32
      %mul3A_11 = arith.muli %scan3A_9, %mul3A_10 : i32
      %add3A_12 = arith.constant 0 : i32
      %add3A_13 = arith.addi %add3A_12, %mul3A_11 : i32
      %mul3A_14 = arith.constant 4 : i32
      %mul3A_15 = arith.muli %add3A, %mul3A_14 : i32
      %add3A_16 = arith.addi %mul3A_15, %add3A_13 : i32
      "tpu.region"() ({
        %run_scoped3A = tpu.sem_alloc : memref<!tpu.dma_semaphore, #tpu.memory_space<semaphore_mem>>
        %dma_start3A = arith.constant 0 : i32
        %dma_start3A_415 = tpu.memref_slice %arg2[%add3A_16, %dma_start3A] : memref<128x100000xf32, #tpu.memory_space<hbm>> -> memref<1x100000xf32, #tpu.memory_space<hbm>>
        %dma_start3A_416 = tpu.memref_squeeze %dma_start3A_415 : memref<1x100000xf32, #tpu.memory_space<hbm>> -> memref<100000xf32, #tpu.memory_space<hbm>>
        %dma_start3A_417 = arith.constant 0 : i32
        %dma_start3A_418 = tpu.memref_slice %arg2[%add3A_16, %dma_start3A_417] : memref<128x100000xf32, #tpu.memory_space<hbm>> -> memref<1x100000xf32, #tpu.memory_space<hbm>>
        %dma_start3A_419 = tpu.memref_squeeze %dma_start3A_418 : memref<1x100000xf32, #tpu.memory_space<hbm>> -> memref<100000xf32, #tpu.memory_space<hbm>>
        tpu.enqueue_dma source(%dma_start3A_419 : memref<100000xf32, #tpu.memory_space<hbm>>) target(%arg5 : memref<100000xf32, #tpu.memory_space<vmem>>) target_semaphore(%run_scoped3A : memref<!tpu.dma_semaphore, #tpu.memory_space<semaphore_mem>>)
        %dma_wait3A = arith.constant 0 : i32
        %dma_wait3A_420 = tpu.memref_slice %arg2[%add3A_16, %dma_wait3A] : memref<128x100000xf32, #tpu.memory_space<hbm>> -> memref<1x100000xf32, #tpu.memory_space<hbm>>
        %dma_wait3A_421 = tpu.memref_squeeze %dma_wait3A_420 : memref<1x100000xf32, #tpu.memory_space<hbm>> -> memref<100000xf32, #tpu.memory_space<hbm>>
        %dma_wait3A_422 = arith.constant 0 : i32
        %dma_wait3A_423 = tpu.memref_slice %arg2[%add3A_16, %dma_wait3A_422] : memref<128x100000xf32, #tpu.memory_space<hbm>> -> memref<1x100000xf32, #tpu.memory_space<hbm>>
        %dma_wait3A_424 = tpu.memref_squeeze %dma_wait3A_423 : memref<1x100000xf32, #tpu.memory_space<hbm>> -> memref<100000xf32, #tpu.memory_space<hbm>>
        tpu.wait_dma2 semaphore(%run_scoped3A : memref<!tpu.dma_semaphore, #tpu.memory_space<semaphore_mem>>) src(%dma_wait3A_424 : memref<100000xf32, #tpu.memory_space<hbm>>) dst(%arg5 : memref<100000xf32, #tpu.memory_space<vmem>>)
        tpu.yield
      }) : () -> ()
      "tpu.region"() ({
        %run_scoped3A = tpu.sem_alloc : memref<!tpu.dma_semaphore, #tpu.memory_space<semaphore_mem>>
        %dma_start3A = arith.constant 0 : i32
        %dma_start3A_415 = tpu.memref_slice %arg3[%add3A_16, %dma_start3A] : memref<128x64xf32, #tpu.memory_space<hbm>> -> memref<1x64xf32, #tpu.memory_space<hbm>>
        %dma_start3A_416 = tpu.memref_squeeze %dma_start3A_415 : memref<1x64xf32, #tpu.memory_space<hbm>> -> memref<64xf32, #tpu.memory_space<hbm>>
        %dma_start3A_417 = arith.constant 0 : i32
        %dma_start3A_418 = tpu.memref_slice %arg3[%add3A_16, %dma_start3A_417] : memref<128x64xf32, #tpu.memory_space<hbm>> -> memref<1x64xf32, #tpu.memory_space<hbm>>
        %dma_start3A_419 = tpu.memref_squeeze %dma_start3A_418 : memref<1x64xf32, #tpu.memory_space<hbm>> -> memref<64xf32, #tpu.memory_space<hbm>>
        tpu.enqueue_dma source(%dma_start3A_419 : memref<64xf32, #tpu.memory_space<hbm>>) target(%arg10 : memref<64xf32, #tpu.memory_space<vmem>>) target_semaphore(%run_scoped3A : memref<!tpu.dma_semaphore, #tpu.memory_space<semaphore_mem>>)
        %dma_wait3A = arith.constant 0 : i32
        %dma_wait3A_420 = tpu.memref_slice %arg3[%add3A_16, %dma_wait3A] : memref<128x64xf32, #tpu.memory_space<hbm>> -> memref<1x64xf32, #tpu.memory_space<hbm>>
        %dma_wait3A_421 = tpu.memref_squeeze %dma_wait3A_420 : memref<1x64xf32, #tpu.memory_space<hbm>> -> memref<64xf32, #tpu.memory_space<hbm>>
        %dma_wait3A_422 = arith.constant 0 : i32
        %dma_wait3A_423 = tpu.memref_slice %arg3[%add3A_16, %dma_wait3A_422] : memref<128x64xf32, #tpu.memory_space<hbm>> -> memref<1x64xf32, #tpu.memory_space<hbm>>
        %dma_wait3A_424 = tpu.memref_squeeze %dma_wait3A_423 : memref<1x64xf32, #tpu.memory_space<hbm>> -> memref<64xf32, #tpu.memory_space<hbm>>
        tpu.wait_dma2 semaphore(%run_scoped3A : memref<!tpu.dma_semaphore, #tpu.memory_space<semaphore_mem>>) src(%dma_wait3A_424 : memref<64xf32, #tpu.memory_space<hbm>>) dst(%arg10 : memref<64xf32, #tpu.memory_space<vmem>>)
        tpu.yield
      }) : () -> ()
      %broadcast_in_dim3A_17 = arith.constant 0xFF800000 : f32
      %broadcast_in_dim3A_18 = vector.broadcast %broadcast_in_dim3A_17 : f32 to vector<16xf32>
      %swap3A_19 = arith.constant 240 : index
      %swap3A_20 = tpu.vector_load %arg7[%swap3A_19] {strides = array<i32>} : memref<256xf32, #tpu.memory_space<vmem>>, vector<16xf32>,
      tpu.vector_store %arg7[%swap3A_19], %broadcast_in_dim3A_18 {strides = array<i32>} : memref<256xf32, #tpu.memory_space<vmem>>, vector<16xf32>,
      %scan3A_21 = arith.constant 0 : i32
      %scan3A_22 = arith.constant 250 : i32
      %scan3A_23 = arith.addi %scan3A_21, %scan3A_22 : i32
      %scan3A_24 = arith.constant 1 : i32
      scf.for %scan3A_415 = %scan3A_21 to %scan3A_23 step %scan3A_24  : i32 {
        %mul3A_416 = arith.constant 1 : i32
        %mul3A_417 = arith.muli %scan3A_415, %mul3A_416 : i32
        %add3A_418 = arith.constant 0 : i32
        %add3A_419 = arith.addi %add3A_418, %mul3A_417 : i32
        %mul3A_420 = arith.constant 400 : i32
        %mul3A_421 = arith.muli %add3A_419, %mul3A_420 : i32
        %add3A_422 = arith.constant 0 : i32
        %add3A_423 = arith.addi %mul3A_421, %add3A_422 : i32
        %get3A_424 = arith.index_cast %add3A_423 : i32 to index
        %get3A_425 = tpu.vector_load %arg5[%get3A_424] {strides = array<i32>} : memref<100000xf32, #tpu.memory_space<vmem>>, vector<16xf32>,
        %mul3A_426 = arith.constant 400 : i32
        %mul3A_427 = arith.muli %add3A_419, %mul3A_426 : i32
        %add3A_428 = arith.constant 16 : i32
        %add3A_429 = arith.addi %mul3A_427, %add3A_428 : i32
        %get3A_430 = arith.index_cast %add3A_429 : i32 to index
        %get3A_431 = tpu.vector_load %arg5[%get3A_430] {strides = array<i32>} : memref<100000xf32, #tpu.memory_space<vmem>>, vector<16xf32>,
        %mul3A_432 = arith.constant 400 : i32
        %mul3A_433 = arith.muli %add3A_419, %mul3A_432 : i32
        %add3A_434 = arith.constant 32 : i32
        %add3A_435 = arith.addi %mul3A_433, %add3A_434 : i32
        %get3A_436 = arith.index_cast %add3A_435 : i32 to index
        %get3A_437 = tpu.vector_load %arg5[%get3A_436] {strides = array<i32>} : memref<100000xf32, #tpu.memory_space<vmem>>, vector<16xf32>,
        %mul3A_438 = arith.constant 400 : i32
        %mul3A_439 = arith.muli %add3A_419, %mul3A_438 : i32
        %add3A_440 = arith.constant 48 : i32
        %add3A_441 = arith.addi %mul3A_439, %add3A_440 : i32
        %get3A_442 = arith.index_cast %add3A_441 : i32 to index
        %get3A_443 = tpu.vector_load %arg5[%get3A_442] {strides = array<i32>} : memref<100000xf32, #tpu.memory_space<vmem>>, vector<16xf32>,
        %mul3A_444 = arith.constant 400 : i32
        %mul3A_445 = arith.muli %add3A_419, %mul3A_444 : i32
        %add3A_446 = arith.constant 64 : i32
        %add3A_447 = arith.addi %mul3A_445, %add3A_446 : i32
        %get3A_448 = arith.index_cast %add3A_447 : i32 to index
        %get3A_449 = tpu.vector_load %arg5[%get3A_448] {strides = array<i32>} : memref<100000xf32, #tpu.memory_space<vmem>>, vector<16xf32>,
        %mul3A_450 = arith.constant 400 : i32
        %mul3A_451 = arith.muli %add3A_419, %mul3A_450 : i32
        %add3A_452 = arith.constant 80 : i32
        %add3A_453 = arith.addi %mul3A_451, %add3A_452 : i32
        %get3A_454 = arith.index_cast %add3A_453 : i32 to index
        %get3A_455 = tpu.vector_load %arg5[%get3A_454] {strides = array<i32>} : memref<100000xf32, #tpu.memory_space<vmem>>, vector<16xf32>,
        %mul3A_456 = arith.constant 400 : i32
        %mul3A_457 = arith.muli %add3A_419, %mul3A_456 : i32
        %add3A_458 = arith.constant 96 : i32
        %add3A_459 = arith.addi %mul3A_457, %add3A_458 : i32
        %get3A_460 = arith.index_cast %add3A_459 : i32 to index
        %get3A_461 = tpu.vector_load %arg5[%get3A_460] {strides = array<i32>} : memref<100000xf32, #tpu.memory_space<vmem>>, vector<16xf32>,
        %mul3A_462 = arith.constant 400 : i32
        %mul3A_463 = arith.muli %add3A_419, %mul3A_462 : i32
        %add3A_464 = arith.constant 112 : i32
        %add3A_465 = arith.addi %mul3A_463, %add3A_464 : i32
        %get3A_466 = arith.index_cast %add3A_465 : i32 to index
        %get3A_467 = tpu.vector_load %arg5[%get3A_466] {strides = array<i32>} : memref<100000xf32, #tpu.memory_space<vmem>>, vector<16xf32>,
        %mul3A_468 = arith.constant 400 : i32
        %mul3A_469 = arith.muli %add3A_419, %mul3A_468 : i32
        %add3A_470 = arith.constant 128 : i32
        %add3A_471 = arith.addi %mul3A_469, %add3A_470 : i32
        %get3A_472 = arith.index_cast %add3A_471 : i32 to index
        %get3A_473 = tpu.vector_load %arg5[%get3A_472] {strides = array<i32>} : memref<100000xf32, #tpu.memory_space<vmem>>, vector<16xf32>,
        %mul3A_474 = arith.constant 400 : i32
        %mul3A_475 = arith.muli %add3A_419, %mul3A_474 : i32
        %add3A_476 = arith.constant 144 : i32
        %add3A_477 = arith.addi %mul3A_475, %add3A_476 : i32
        %get3A_478 = arith.index_cast %add3A_477 : i32 to index
        %get3A_479 = tpu.vector_load %arg5[%get3A_478] {strides = array<i32>} : memref<100000xf32, #tpu.memory_space<vmem>>, vector<16xf32>,
        %mul3A_480 = arith.constant 400 : i32
        %mul3A_481 = arith.muli %add3A_419, %mul3A_480 : i32
        %add3A_482 = arith.constant 160 : i32
        %add3A_483 = arith.addi %mul3A_481, %add3A_482 : i32
        %get3A_484 = arith.index_cast %add3A_483 : i32 to index
        %get3A_485 = tpu.vector_load %arg5[%get3A_484] {strides = array<i32>} : memref<100000xf32, #tpu.memory_space<vmem>>, vector<16xf32>,
        %mul3A_486 = arith.constant 400 : i32
        %mul3A_487 = arith.muli %add3A_419, %mul3A_486 : i32
        %add3A_488 = arith.constant 176 : i32
        %add3A_489 = arith.addi %mul3A_487, %add3A_488 : i32
        %get3A_490 = arith.index_cast %add3A_489 : i32 to index
        %get3A_491 = tpu.vector_load %arg5[%get3A_490] {strides = array<i32>} : memref<100000xf32, #tpu.memory_space<vmem>>, vector<16xf32>,
        %mul3A_492 = arith.constant 400 : i32
        %mul3A_493 = arith.muli %add3A_419, %mul3A_492 : i32
        %add3A_494 = arith.constant 192 : i32
        %add3A_495 = arith.addi %mul3A_493, %add3A_494 : i32
        %get3A_496 = arith.index_cast %add3A_495 : i32 to index
        %get3A_497 = tpu.vector_load %arg5[%get3A_496] {strides = array<i32>} : memref<100000xf32, #tpu.memory_space<vmem>>, vector<16xf32>,
        %mul3A_498 = arith.constant 400 : i32
        %mul3A_499 = arith.muli %add3A_419, %mul3A_498 : i32
        %add3A_500 = arith.constant 208 : i32
        %add3A_501 = arith.addi %mul3A_499, %add3A_500 : i32
        %get3A_502 = arith.index_cast %add3A_501 : i32 to index
        %get3A_503 = tpu.vector_load %arg5[%get3A_502] {strides = array<i32>} : memref<100000xf32, #tpu.memory_space<vmem>>, vector<16xf32>,
        %mul3A_504 = arith.constant 400 : i32
        %mul3A_505 = arith.muli %add3A_419, %mul3A_504 : i32
        %add3A_506 = arith.constant 224 : i32
        %add3A_507 = arith.addi %mul3A_505, %add3A_506 : i32
        %get3A_508 = arith.index_cast %add3A_507 : i32 to index
        %get3A_509 = tpu.vector_load %arg5[%get3A_508] {strides = array<i32>} : memref<100000xf32, #tpu.memory_space<vmem>>, vector<16xf32>,
        %mul3A_510 = arith.constant 400 : i32
        %mul3A_511 = arith.muli %add3A_419, %mul3A_510 : i32
        %add3A_512 = arith.constant 240 : i32
        %add3A_513 = arith.addi %mul3A_511, %add3A_512 : i32
        %get3A_514 = arith.index_cast %add3A_513 : i32 to index
        %get3A_515 = tpu.vector_load %arg5[%get3A_514] {strides = array<i32>} : memref<100000xf32, #tpu.memory_space<vmem>>, vector<16xf32>,
        %mul3A_516 = arith.constant 400 : i32
        %mul3A_517 = arith.muli %add3A_419, %mul3A_516 : i32
        %add3A_518 = arith.constant 256 : i32
        %add3A_519 = arith.addi %mul3A_517, %add3A_518 : i32
        %get3A_520 = arith.index_cast %add3A_519 : i32 to index
        %get3A_521 = tpu.vector_load %arg5[%get3A_520] {strides = array<i32>} : memref<100000xf32, #tpu.memory_space<vmem>>, vector<16xf32>,
        %mul3A_522 = arith.constant 400 : i32
        %mul3A_523 = arith.muli %add3A_419, %mul3A_522 : i32
        %add3A_524 = arith.constant 272 : i32
        %add3A_525 = arith.addi %mul3A_523, %add3A_524 : i32
        %get3A_526 = arith.index_cast %add3A_525 : i32 to index
        %get3A_527 = tpu.vector_load %arg5[%get3A_526] {strides = array<i32>} : memref<100000xf32, #tpu.memory_space<vmem>>, vector<16xf32>,
        %mul3A_528 = arith.constant 400 : i32
        %mul3A_529 = arith.muli %add3A_419, %mul3A_528 : i32
        %add3A_530 = arith.constant 288 : i32
        %add3A_531 = arith.addi %mul3A_529, %add3A_530 : i32
        %get3A_532 = arith.index_cast %add3A_531 : i32 to index
        %get3A_533 = tpu.vector_load %arg5[%get3A_532] {strides = array<i32>} : memref<100000xf32, #tpu.memory_space<vmem>>, vector<16xf32>,
        %mul3A_534 = arith.constant 400 : i32
        %mul3A_535 = arith.muli %add3A_419, %mul3A_534 : i32
        %add3A_536 = arith.constant 304 : i32
        %add3A_537 = arith.addi %mul3A_535, %add3A_536 : i32
        %get3A_538 = arith.index_cast %add3A_537 : i32 to index
        %get3A_539 = tpu.vector_load %arg5[%get3A_538] {strides = array<i32>} : memref<100000xf32, #tpu.memory_space<vmem>>, vector<16xf32>,
        %mul3A_540 = arith.constant 400 : i32
        %mul3A_541 = arith.muli %add3A_419, %mul3A_540 : i32
        %add3A_542 = arith.constant 320 : i32
        %add3A_543 = arith.addi %mul3A_541, %add3A_542 : i32
        %get3A_544 = arith.index_cast %add3A_543 : i32 to index
        %get3A_545 = tpu.vector_load %arg5[%get3A_544] {strides = array<i32>} : memref<100000xf32, #tpu.memory_space<vmem>>, vector<16xf32>,
        %mul3A_546 = arith.constant 400 : i32
        %mul3A_547 = arith.muli %add3A_419, %mul3A_546 : i32
        %add3A_548 = arith.constant 336 : i32
        %add3A_549 = arith.addi %mul3A_547, %add3A_548 : i32
        %get3A_550 = arith.index_cast %add3A_549 : i32 to index
        %get3A_551 = tpu.vector_load %arg5[%get3A_550] {strides = array<i32>} : memref<100000xf32, #tpu.memory_space<vmem>>, vector<16xf32>,
        %mul3A_552 = arith.constant 400 : i32
        %mul3A_553 = arith.muli %add3A_419, %mul3A_552 : i32
        %add3A_554 = arith.constant 352 : i32
        %add3A_555 = arith.addi %mul3A_553, %add3A_554 : i32
        %get3A_556 = arith.index_cast %add3A_555 : i32 to index
        %get3A_557 = tpu.vector_load %arg5[%get3A_556] {strides = array<i32>} : memref<100000xf32, #tpu.memory_space<vmem>>, vector<16xf32>,
        %mul3A_558 = arith.constant 400 : i32
        %mul3A_559 = arith.muli %add3A_419, %mul3A_558 : i32
        %add3A_560 = arith.constant 368 : i32
        %add3A_561 = arith.addi %mul3A_559, %add3A_560 : i32
        %get3A_562 = arith.index_cast %add3A_561 : i32 to index
        %get3A_563 = tpu.vector_load %arg5[%get3A_562] {strides = array<i32>} : memref<100000xf32, #tpu.memory_space<vmem>>, vector<16xf32>,
        %mul3A_564 = arith.constant 400 : i32
        %mul3A_565 = arith.muli %add3A_419, %mul3A_564 : i32
        %add3A_566 = arith.constant 384 : i32
        %add3A_567 = arith.addi %mul3A_565, %add3A_566 : i32
        %get3A_568 = arith.index_cast %add3A_567 : i32 to index
        %get3A_569 = tpu.vector_load %arg5[%get3A_568] {strides = array<i32>} : memref<100000xf32, #tpu.memory_space<vmem>>, vector<16xf32>,
        %max3A_570 = arith.maximumf %get3A_425, %get3A_431 : vector<16xf32>
        %max3A_571 = arith.maximumf %get3A_437, %get3A_443 : vector<16xf32>
        %max3A_572 = arith.maximumf %get3A_449, %get3A_455 : vector<16xf32>
        %max3A_573 = arith.maximumf %get3A_461, %get3A_467 : vector<16xf32>
        %max3A_574 = arith.maximumf %get3A_473, %get3A_479 : vector<16xf32>
        %max3A_575 = arith.maximumf %get3A_485, %get3A_491 : vector<16xf32>
        %max3A_576 = arith.maximumf %get3A_497, %get3A_503 : vector<16xf32>
        %max3A_577 = arith.maximumf %get3A_509, %get3A_515 : vector<16xf32>
        %max3A_578 = arith.maximumf %get3A_521, %get3A_527 : vector<16xf32>
        %max3A_579 = arith.maximumf %get3A_533, %get3A_539 : vector<16xf32>
        %max3A_580 = arith.maximumf %get3A_545, %get3A_551 : vector<16xf32>
        %max3A_581 = arith.maximumf %get3A_557, %get3A_563 : vector<16xf32>
        %max3A_582 = arith.maximumf %max3A_570, %max3A_571 : vector<16xf32>
        %max3A_583 = arith.maximumf %max3A_572, %max3A_573 : vector<16xf32>
        %max3A_584 = arith.maximumf %max3A_574, %max3A_575 : vector<16xf32>
        %max3A_585 = arith.maximumf %max3A_576, %max3A_577 : vector<16xf32>
        %max3A_586 = arith.maximumf %max3A_578, %max3A_579 : vector<16xf32>
        %max3A_587 = arith.maximumf %max3A_580, %max3A_581 : vector<16xf32>
        %max3A_588 = arith.maximumf %max3A_582, %max3A_583 : vector<16xf32>
        %max3A_589 = arith.maximumf %max3A_584, %max3A_585 : vector<16xf32>
        %max3A_590 = arith.maximumf %max3A_586, %max3A_587 : vector<16xf32>
        %max3A_591 = arith.maximumf %max3A_588, %max3A_589 : vector<16xf32>
        %max3A_592 = arith.maximumf %max3A_590, %get3A_569 : vector<16xf32>
        %max3A_593 = arith.maximumf %max3A_591, %max3A_592 : vector<16xf32>
        %reduce_max3A_594 = arith.constant true
        %reduce_max3A_595 = vector.broadcast %reduce_max3A_594 : i1 to vector<16xi1>
        %reduce_max3A_596 = tpu.scan <max>, %max3A_593 masked %reduce_max3A_595 : vector<16xf32>, vector<16xi1> -> vector<16xf32>
        %reduce_max3A_597 = vector.extract %reduce_max3A_596[15] : f32 from vector<16xf32>
        %jit3A_598 = arith.constant 16 : i32
        %div3A_599 = arith.divsi %add3A_419, %jit3A_598 : i32
        %sign3A_600 = arith.constant 0 : i32
        %sign3A_601 = arith.cmpi sgt, %add3A_419, %sign3A_600 : i32
        %sign3A_602 = arith.extui %sign3A_601 : i1 to i32
        %sign3A_603 = arith.constant 0 : i32
        %sign3A_604 = arith.cmpi slt, %add3A_419, %sign3A_603 : i32
        %sign3A_605 = arith.extui %sign3A_604 : i1 to i32
        %sign3A_606 = arith.subi %sign3A_602, %sign3A_605 : i32
        %sign3A_607 = arith.constant 0 : i32
        %sign3A_608 = arith.cmpi sgt, %jit3A_598, %sign3A_607 : i32
        %sign3A_609 = arith.extui %sign3A_608 : i1 to i32
        %sign3A_610 = arith.constant 0 : i32
        %sign3A_611 = arith.cmpi slt, %jit3A_598, %sign3A_610 : i32
        %sign3A_612 = arith.extui %sign3A_611 : i1 to i32
        %sign3A_613 = arith.subi %sign3A_609, %sign3A_612 : i32
        %ne3A_614 = arith.cmpi ne, %sign3A_606, %sign3A_613 : i32
        %rem3A_615 = arith.remsi %add3A_419, %jit3A_598 : i32
        %ne3A_616 = arith.constant 0 : i32
        %ne3A_617 = arith.cmpi ne, %rem3A_615, %ne3A_616 : i32
        %and3A_618 = arith.andi %ne3A_614, %ne3A_617 : i1
        %sub3A_619 = arith.constant 1 : i32
        %sub3A_620 = arith.subi %div3A_599, %sub3A_619 : i32
        %select_n3A_621 = arith.select %and3A_618, %sub3A_620, %div3A_599 : i32
        %mul3A_622 = arith.constant 16 : i32
        %mul3A_623 = arith.muli %select_n3A_621, %mul3A_622 : i32
        %get3A_624 = arith.index_cast %mul3A_623 : i32 to index
        %get3A_625 = tpu.vector_load %arg7[%get3A_624] {strides = array<i32>} : memref<256xf32, #tpu.memory_space<vmem>>, vector<16xf32>,
        %sub3A_626 = arith.subi %add3A_419, %mul3A_623 : i32
        %eq3A_627 = vector.broadcast %sub3A_626 : i32 to vector<16xi32>
        %eq3A_628 = arith.cmpi eq, %iota3A, %eq3A_627 : vector<16xi32>
        %broadcast_in_dim3A_629 = vector.broadcast %reduce_max3A_597 : f32 to vector<16xf32>
        %select_n3A_630 = arith.select %eq3A_628, %broadcast_in_dim3A_629, %get3A_625 : vector<16xi1>, vector<16xf32>
        %swap3A_631 = arith.index_cast %mul3A_623 : i32 to index
        %swap3A_632 = tpu.vector_load %arg7[%swap3A_631] {strides = array<i32>} : memref<256xf32, #tpu.memory_space<vmem>>, vector<16xf32>,
        tpu.vector_store %arg7[%swap3A_631], %select_n3A_630 {strides = array<i32>} : memref<256xf32, #tpu.memory_space<vmem>>, vector<16xf32>,
      }
      %scan3A_25 = arith.constant 250 : i32
      %get3A = arith.constant 0 : index
      %get3A_26 = tpu.vector_load %arg7[%get3A] {strides = array<i32>} : memref<256xf32, #tpu.memory_space<vmem>>, vector<16xf32>,
      %get3A_27 = arith.constant 16 : index
      %get3A_28 = tpu.vector_load %arg7[%get3A_27] {strides = array<i32>} : memref<256xf32, #tpu.memory_space<vmem>>, vector<16xf32>,
      %get3A_29 = arith.constant 32 : index
      %get3A_30 = tpu.vector_load %arg7[%get3A_29] {strides = array<i32>} : memref<256xf32, #tpu.memory_space<vmem>>, vector<16xf32>,
      %get3A_31 = arith.constant 48 : index
      %get3A_32 = tpu.vector_load %arg7[%get3A_31] {strides = array<i32>} : memref<256xf32, #tpu.memory_space<vmem>>, vector<16xf32>,
      %get3A_33 = arith.constant 64 : index
      %get3A_34 = tpu.vector_load %arg7[%get3A_33] {strides = array<i32>} : memref<256xf32, #tpu.memory_space<vmem>>, vector<16xf32>,
      %get3A_35 = arith.constant 80 : index
      %get3A_36 = tpu.vector_load %arg7[%get3A_35] {strides = array<i32>} : memref<256xf32, #tpu.memory_space<vmem>>, vector<16xf32>,
      %get3A_37 = arith.constant 96 : index
      %get3A_38 = tpu.vector_load %arg7[%get3A_37] {strides = array<i32>} : memref<256xf32, #tpu.memory_space<vmem>>, vector<16xf32>,
      %get3A_39 = arith.constant 112 : index
      %get3A_40 = tpu.vector_load %arg7[%get3A_39] {strides = array<i32>} : memref<256xf32, #tpu.memory_space<vmem>>, vector<16xf32>,
      %get3A_41 = arith.constant 128 : index
      %get3A_42 = tpu.vector_load %arg7[%get3A_41] {strides = array<i32>} : memref<256xf32, #tpu.memory_space<vmem>>, vector<16xf32>,
      %get3A_43 = arith.constant 144 : index
      %get3A_44 = tpu.vector_load %arg7[%get3A_43] {strides = array<i32>} : memref<256xf32, #tpu.memory_space<vmem>>, vector<16xf32>,
      %get3A_45 = arith.constant 160 : index
      %get3A_46 = tpu.vector_load %arg7[%get3A_45] {strides = array<i32>} : memref<256xf32, #tpu.memory_space<vmem>>, vector<16xf32>,
      %get3A_47 = arith.constant 176 : index
      %get3A_48 = tpu.vector_load %arg7[%get3A_47] {strides = array<i32>} : memref<256xf32, #tpu.memory_space<vmem>>, vector<16xf32>,
      %get3A_49 = arith.constant 192 : index
      %get3A_50 = tpu.vector_load %arg7[%get3A_49] {strides = array<i32>} : memref<256xf32, #tpu.memory_space<vmem>>, vector<16xf32>,
      %get3A_51 = arith.constant 208 : index
      %get3A_52 = tpu.vector_load %arg7[%get3A_51] {strides = array<i32>} : memref<256xf32, #tpu.memory_space<vmem>>, vector<16xf32>,
      %get3A_53 = arith.constant 224 : index
      %get3A_54 = tpu.vector_load %arg7[%get3A_53] {strides = array<i32>} : memref<256xf32, #tpu.memory_space<vmem>>, vector<16xf32>,
      %get3A_55 = arith.constant 240 : index
      %get3A_56 = tpu.vector_load %arg7[%get3A_55] {strides = array<i32>} : memref<256xf32, #tpu.memory_space<vmem>>, vector<16xf32>,
      %scan3A_57 = arith.constant 0xFF800000 : f32
      %scan3A_58 = arith.constant 0 : i32
      %scan3A_59 = arith.constant 50 : i32
      %scan3A_60 = arith.addi %scan3A_58, %scan3A_59 : i32
      %scan3A_61 = arith.constant 1 : i32
      %scan3A_62:17 = scf.for %scan3A_415 = %scan3A_58 to %scan3A_60 step %scan3A_61 iter_args(%scan3A_416 = %get3A_26, %scan3A_417 = %get3A_28, %scan3A_418 = %get3A_30, %scan3A_419 = %get3A_32, %scan3A_420 = %get3A_34, %scan3A_421 = %get3A_36, %scan3A_422 = %get3A_38, %scan3A_423 = %get3A_40, %scan3A_424 = %get3A_42, %scan3A_425 = %get3A_44, %scan3A_426 = %get3A_46, %scan3A_427 = %get3A_48, %scan3A_428 = %get3A_50, %scan3A_429 = %get3A_52, %scan3A_430 = %get3A_54, %scan3A_431 = %get3A_56, %scan3A_432 = %scan3A_57) -> (vector<16xf32>, vector<16xf32>, vector<16xf32>, vector<16xf32>, vector<16xf32>, vector<16xf32>, vector<16xf32>, vector<16xf32>, vector<16xf32>, vector<16xf32>, vector<16xf32>, vector<16xf32>, vector<16xf32>, vector<16xf32>, vector<16xf32>, vector<16xf32>, f32)  : i32 {
        %max3A_433 = arith.maximumf %scan3A_416, %scan3A_417 : vector<16xf32>
        %max3A_434 = arith.maximumf %scan3A_418, %scan3A_419 : vector<16xf32>
        %max3A_435 = arith.maximumf %scan3A_420, %scan3A_421 : vector<16xf32>
        %max3A_436 = arith.maximumf %scan3A_422, %scan3A_423 : vector<16xf32>
        %max3A_437 = arith.maximumf %scan3A_424, %scan3A_425 : vector<16xf32>
        %max3A_438 = arith.maximumf %scan3A_426, %scan3A_427 : vector<16xf32>
        %max3A_439 = arith.maximumf %scan3A_428, %scan3A_429 : vector<16xf32>
        %max3A_440 = arith.maximumf %scan3A_430, %scan3A_431 : vector<16xf32>
        %max3A_441 = arith.maximumf %max3A_433, %max3A_434 : vector<16xf32>
        %max3A_442 = arith.maximumf %max3A_435, %max3A_436 : vector<16xf32>
        %max3A_443 = arith.maximumf %max3A_437, %max3A_438 : vector<16xf32>
        %max3A_444 = arith.maximumf %max3A_439, %max3A_440 : vector<16xf32>
        %max3A_445 = arith.maximumf %max3A_441, %max3A_442 : vector<16xf32>
        %max3A_446 = arith.maximumf %max3A_443, %max3A_444 : vector<16xf32>
        %max3A_447 = arith.maximumf %max3A_445, %max3A_446 : vector<16xf32>
        %reduce_max3A_448 = arith.constant true
        %reduce_max3A_449 = vector.broadcast %reduce_max3A_448 : i1 to vector<16xi1>
        %reduce_max3A_450 = tpu.scan <max>, %max3A_447 masked %reduce_max3A_449 : vector<16xf32>, vector<16xi1> -> vector<16xf32>
        %reduce_max3A_451 = vector.extract %reduce_max3A_450[15] : f32 from vector<16xf32>
        %broadcast_in_dim3A_452 = arith.constant 0 : i32
        %broadcast_in_dim3A_453 = vector.broadcast %broadcast_in_dim3A_452 : i32 to vector<16xi32>
        %eq3A_454 = vector.broadcast %reduce_max3A_451 : f32 to vector<16xf32>
        %eq3A_455 = arith.cmpf oeq, %scan3A_416, %eq3A_454 : vector<16xf32>
        %all_reduce_ffs3A_456 = tpu.all_reduce %eq3A_455 {dim = 0 : i64, kind = #tpu.reduction_kind<find_first_set>} : vector<16xi1> -> vector<16xi32>
        %lt3A_457 = arith.constant 16 : i32
        %lt3A_458 = vector.broadcast %lt3A_457 : i32 to vector<16xi32>
        %lt3A_459 = arith.cmpi slt, %all_reduce_ffs3A_456, %lt3A_458 : vector<16xi32>
        %not3A = arith.constant dense<true> : vector<16xi1>
        %not3A_460 = arith.xori %lt3A_2, %not3A : vector<16xi1>
        %and3A_461 = arith.andi %not3A_460, %lt3A_459 : vector<16xi1>
        %eq3A_462 = arith.cmpi eq, %iota3A, %all_reduce_ffs3A_456 : vector<16xi32>
        %and3A_463 = arith.andi %and3A_461, %eq3A_462 : vector<16xi1>
        %jit3A_464 = arith.constant 0xFF800000 : f32
        %broadcast_in_dim3A_465 = vector.broadcast %jit3A_464 : f32 to vector<16xf32>
        %select_n3A_466 = arith.select %and3A_463, %broadcast_in_dim3A_465, %scan3A_416 : vector<16xi1>, vector<16xf32>
        %add3A_467 = arith.constant 0 : i32
        %add3A_468 = vector.broadcast %add3A_467 : i32 to vector<16xi32>
        %add3A_469 = arith.addi %add3A_468, %all_reduce_ffs3A_456 : vector<16xi32>
        %select_n3A_470 = arith.select %and3A_461, %add3A_469, %broadcast_in_dim3A_453 : vector<16xi1>, vector<16xi32>
        %or3A_471 = arith.ori %lt3A_2, %lt3A_459 : vector<16xi1>
        %eq3A_472 = vector.broadcast %reduce_max3A_451 : f32 to vector<16xf32>
        %eq3A_473 = arith.cmpf oeq, %scan3A_417, %eq3A_472 : vector<16xf32>
        %all_reduce_ffs3A_474 = tpu.all_reduce %eq3A_473 {dim = 0 : i64, kind = #tpu.reduction_kind<find_first_set>} : vector<16xi1> -> vector<16xi32>
        %lt3A_475 = arith.constant 16 : i32
        %lt3A_476 = vector.broadcast %lt3A_475 : i32 to vector<16xi32>
        %lt3A_477 = arith.cmpi slt, %all_reduce_ffs3A_474, %lt3A_476 : vector<16xi32>
        %not3A_478 = arith.constant dense<true> : vector<16xi1>
        %not3A_479 = arith.xori %or3A_471, %not3A_478 : vector<16xi1>
        %and3A_480 = arith.andi %not3A_479, %lt3A_477 : vector<16xi1>
        %eq3A_481 = arith.cmpi eq, %iota3A, %all_reduce_ffs3A_474 : vector<16xi32>
        %and3A_482 = arith.andi %and3A_480, %eq3A_481 : vector<16xi1>
        %jit3A_483 = arith.constant 0xFF800000 : f32
        %broadcast_in_dim3A_484 = vector.broadcast %jit3A_483 : f32 to vector<16xf32>
        %select_n3A_485 = arith.select %and3A_482, %broadcast_in_dim3A_484, %scan3A_417 : vector<16xi1>, vector<16xf32>
        %add3A_486 = arith.constant 16 : i32
        %add3A_487 = vector.broadcast %add3A_486 : i32 to vector<16xi32>
        %add3A_488 = arith.addi %add3A_487, %all_reduce_ffs3A_474 : vector<16xi32>
        %select_n3A_489 = arith.select %and3A_480, %add3A_488, %select_n3A_470 : vector<16xi1>, vector<16xi32>
        %or3A_490 = arith.ori %or3A_471, %lt3A_477 : vector<16xi1>
        %eq3A_491 = vector.broadcast %reduce_max3A_451 : f32 to vector<16xf32>
        %eq3A_492 = arith.cmpf oeq, %scan3A_418, %eq3A_491 : vector<16xf32>
        %all_reduce_ffs3A_493 = tpu.all_reduce %eq3A_492 {dim = 0 : i64, kind = #tpu.reduction_kind<find_first_set>} : vector<16xi1> -> vector<16xi32>
        %lt3A_494 = arith.constant 16 : i32
        %lt3A_495 = vector.broadcast %lt3A_494 : i32 to vector<16xi32>
        %lt3A_496 = arith.cmpi slt, %all_reduce_ffs3A_493, %lt3A_495 : vector<16xi32>
        %not3A_497 = arith.constant dense<true> : vector<16xi1>
        %not3A_498 = arith.xori %or3A_490, %not3A_497 : vector<16xi1>
        %and3A_499 = arith.andi %not3A_498, %lt3A_496 : vector<16xi1>
        %eq3A_500 = arith.cmpi eq, %iota3A, %all_reduce_ffs3A_493 : vector<16xi32>
        %and3A_501 = arith.andi %and3A_499, %eq3A_500 : vector<16xi1>
        %jit3A_502 = arith.constant 0xFF800000 : f32
        %broadcast_in_dim3A_503 = vector.broadcast %jit3A_502 : f32 to vector<16xf32>
        %select_n3A_504 = arith.select %and3A_501, %broadcast_in_dim3A_503, %scan3A_418 : vector<16xi1>, vector<16xf32>
        %add3A_505 = arith.constant 32 : i32
        %add3A_506 = vector.broadcast %add3A_505 : i32 to vector<16xi32>
        %add3A_507 = arith.addi %add3A_506, %all_reduce_ffs3A_493 : vector<16xi32>
        %select_n3A_508 = arith.select %and3A_499, %add3A_507, %select_n3A_489 : vector<16xi1>, vector<16xi32>
        %or3A_509 = arith.ori %or3A_490, %lt3A_496 : vector<16xi1>
        %eq3A_510 = vector.broadcast %reduce_max3A_451 : f32 to vector<16xf32>
        %eq3A_511 = arith.cmpf oeq, %scan3A_419, %eq3A_510 : vector<16xf32>
        %all_reduce_ffs3A_512 = tpu.all_reduce %eq3A_511 {dim = 0 : i64, kind = #tpu.reduction_kind<find_first_set>} : vector<16xi1> -> vector<16xi32>
        %lt3A_513 = arith.constant 16 : i32
        %lt3A_514 = vector.broadcast %lt3A_513 : i32 to vector<16xi32>
        %lt3A_515 = arith.cmpi slt, %all_reduce_ffs3A_512, %lt3A_514 : vector<16xi32>
        %not3A_516 = arith.constant dense<true> : vector<16xi1>
        %not3A_517 = arith.xori %or3A_509, %not3A_516 : vector<16xi1>
        %and3A_518 = arith.andi %not3A_517, %lt3A_515 : vector<16xi1>
        %eq3A_519 = arith.cmpi eq, %iota3A, %all_reduce_ffs3A_512 : vector<16xi32>
        %and3A_520 = arith.andi %and3A_518, %eq3A_519 : vector<16xi1>
        %jit3A_521 = arith.constant 0xFF800000 : f32
        %broadcast_in_dim3A_522 = vector.broadcast %jit3A_521 : f32 to vector<16xf32>
        %select_n3A_523 = arith.select %and3A_520, %broadcast_in_dim3A_522, %scan3A_419 : vector<16xi1>, vector<16xf32>
        %add3A_524 = arith.constant 48 : i32
        %add3A_525 = vector.broadcast %add3A_524 : i32 to vector<16xi32>
        %add3A_526 = arith.addi %add3A_525, %all_reduce_ffs3A_512 : vector<16xi32>
        %select_n3A_527 = arith.select %and3A_518, %add3A_526, %select_n3A_508 : vector<16xi1>, vector<16xi32>
        %or3A_528 = arith.ori %or3A_509, %lt3A_515 : vector<16xi1>
        %eq3A_529 = vector.broadcast %reduce_max3A_451 : f32 to vector<16xf32>
        %eq3A_530 = arith.cmpf oeq, %scan3A_420, %eq3A_529 : vector<16xf32>
        %all_reduce_ffs3A_531 = tpu.all_reduce %eq3A_530 {dim = 0 : i64, kind = #tpu.reduction_kind<find_first_set>} : vector<16xi1> -> vector<16xi32>
        %lt3A_532 = arith.constant 16 : i32
        %lt3A_533 = vector.broadcast %lt3A_532 : i32 to vector<16xi32>
        %lt3A_534 = arith.cmpi slt, %all_reduce_ffs3A_531, %lt3A_533 : vector<16xi32>
        %not3A_535 = arith.constant dense<true> : vector<16xi1>
        %not3A_536 = arith.xori %or3A_528, %not3A_535 : vector<16xi1>
        %and3A_537 = arith.andi %not3A_536, %lt3A_534 : vector<16xi1>
        %eq3A_538 = arith.cmpi eq, %iota3A, %all_reduce_ffs3A_531 : vector<16xi32>
        %and3A_539 = arith.andi %and3A_537, %eq3A_538 : vector<16xi1>
        %jit3A_540 = arith.constant 0xFF800000 : f32
        %broadcast_in_dim3A_541 = vector.broadcast %jit3A_540 : f32 to vector<16xf32>
        %select_n3A_542 = arith.select %and3A_539, %broadcast_in_dim3A_541, %scan3A_420 : vector<16xi1>, vector<16xf32>
        %add3A_543 = arith.constant 64 : i32
        %add3A_544 = vector.broadcast %add3A_543 : i32 to vector<16xi32>
        %add3A_545 = arith.addi %add3A_544, %all_reduce_ffs3A_531 : vector<16xi32>
        %select_n3A_546 = arith.select %and3A_537, %add3A_545, %select_n3A_527 : vector<16xi1>, vector<16xi32>
        %or3A_547 = arith.ori %or3A_528, %lt3A_534 : vector<16xi1>
        %eq3A_548 = vector.broadcast %reduce_max3A_451 : f32 to vector<16xf32>
        %eq3A_549 = arith.cmpf oeq, %scan3A_421, %eq3A_548 : vector<16xf32>
        %all_reduce_ffs3A_550 = tpu.all_reduce %eq3A_549 {dim = 0 : i64, kind = #tpu.reduction_kind<find_first_set>} : vector<16xi1> -> vector<16xi32>
        %lt3A_551 = arith.constant 16 : i32
        %lt3A_552 = vector.broadcast %lt3A_551 : i32 to vector<16xi32>
        %lt3A_553 = arith.cmpi slt, %all_reduce_ffs3A_550, %lt3A_552 : vector<16xi32>
        %not3A_554 = arith.constant dense<true> : vector<16xi1>
        %not3A_555 = arith.xori %or3A_547, %not3A_554 : vector<16xi1>
        %and3A_556 = arith.andi %not3A_555, %lt3A_553 : vector<16xi1>
        %eq3A_557 = arith.cmpi eq, %iota3A, %all_reduce_ffs3A_550 : vector<16xi32>
        %and3A_558 = arith.andi %and3A_556, %eq3A_557 : vector<16xi1>
        %jit3A_559 = arith.constant 0xFF800000 : f32
        %broadcast_in_dim3A_560 = vector.broadcast %jit3A_559 : f32 to vector<16xf32>
        %select_n3A_561 = arith.select %and3A_558, %broadcast_in_dim3A_560, %scan3A_421 : vector<16xi1>, vector<16xf32>
        %add3A_562 = arith.constant 80 : i32
        %add3A_563 = vector.broadcast %add3A_562 : i32 to vector<16xi32>
        %add3A_564 = arith.addi %add3A_563, %all_reduce_ffs3A_550 : vector<16xi32>
        %select_n3A_565 = arith.select %and3A_556, %add3A_564, %select_n3A_546 : vector<16xi1>, vector<16xi32>
        %or3A_566 = arith.ori %or3A_547, %lt3A_553 : vector<16xi1>
        %eq3A_567 = vector.broadcast %reduce_max3A_451 : f32 to vector<16xf32>
        %eq3A_568 = arith.cmpf oeq, %scan3A_422, %eq3A_567 : vector<16xf32>
        %all_reduce_ffs3A_569 = tpu.all_reduce %eq3A_568 {dim = 0 : i64, kind = #tpu.reduction_kind<find_first_set>} : vector<16xi1> -> vector<16xi32>
        %lt3A_570 = arith.constant 16 : i32
        %lt3A_571 = vector.broadcast %lt3A_570 : i32 to vector<16xi32>
        %lt3A_572 = arith.cmpi slt, %all_reduce_ffs3A_569, %lt3A_571 : vector<16xi32>
        %not3A_573 = arith.constant dense<true> : vector<16xi1>
        %not3A_574 = arith.xori %or3A_566, %not3A_573 : vector<16xi1>
        %and3A_575 = arith.andi %not3A_574, %lt3A_572 : vector<16xi1>
        %eq3A_576 = arith.cmpi eq, %iota3A, %all_reduce_ffs3A_569 : vector<16xi32>
        %and3A_577 = arith.andi %and3A_575, %eq3A_576 : vector<16xi1>
        %jit3A_578 = arith.constant 0xFF800000 : f32
        %broadcast_in_dim3A_579 = vector.broadcast %jit3A_578 : f32 to vector<16xf32>
        %select_n3A_580 = arith.select %and3A_577, %broadcast_in_dim3A_579, %scan3A_422 : vector<16xi1>, vector<16xf32>
        %add3A_581 = arith.constant 96 : i32
        %add3A_582 = vector.broadcast %add3A_581 : i32 to vector<16xi32>
        %add3A_583 = arith.addi %add3A_582, %all_reduce_ffs3A_569 : vector<16xi32>
        %select_n3A_584 = arith.select %and3A_575, %add3A_583, %select_n3A_565 : vector<16xi1>, vector<16xi32>
        %or3A_585 = arith.ori %or3A_566, %lt3A_572 : vector<16xi1>
        %eq3A_586 = vector.broadcast %reduce_max3A_451 : f32 to vector<16xf32>
        %eq3A_587 = arith.cmpf oeq, %scan3A_423, %eq3A_586 : vector<16xf32>
        %all_reduce_ffs3A_588 = tpu.all_reduce %eq3A_587 {dim = 0 : i64, kind = #tpu.reduction_kind<find_first_set>} : vector<16xi1> -> vector<16xi32>
        %lt3A_589 = arith.constant 16 : i32
        %lt3A_590 = vector.broadcast %lt3A_589 : i32 to vector<16xi32>
        %lt3A_591 = arith.cmpi slt, %all_reduce_ffs3A_588, %lt3A_590 : vector<16xi32>
        %not3A_592 = arith.constant dense<true> : vector<16xi1>
        %not3A_593 = arith.xori %or3A_585, %not3A_592 : vector<16xi1>
        %and3A_594 = arith.andi %not3A_593, %lt3A_591 : vector<16xi1>
        %eq3A_595 = arith.cmpi eq, %iota3A, %all_reduce_ffs3A_588 : vector<16xi32>
        %and3A_596 = arith.andi %and3A_594, %eq3A_595 : vector<16xi1>
        %jit3A_597 = arith.constant 0xFF800000 : f32
        %broadcast_in_dim3A_598 = vector.broadcast %jit3A_597 : f32 to vector<16xf32>
        %select_n3A_599 = arith.select %and3A_596, %broadcast_in_dim3A_598, %scan3A_423 : vector<16xi1>, vector<16xf32>
        %add3A_600 = arith.constant 112 : i32
        %add3A_601 = vector.broadcast %add3A_600 : i32 to vector<16xi32>
        %add3A_602 = arith.addi %add3A_601, %all_reduce_ffs3A_588 : vector<16xi32>
        %select_n3A_603 = arith.select %and3A_594, %add3A_602, %select_n3A_584 : vector<16xi1>, vector<16xi32>
        %or3A_604 = arith.ori %or3A_585, %lt3A_591 : vector<16xi1>
        %eq3A_605 = vector.broadcast %reduce_max3A_451 : f32 to vector<16xf32>
        %eq3A_606 = arith.cmpf oeq, %scan3A_424, %eq3A_605 : vector<16xf32>
        %all_reduce_ffs3A_607 = tpu.all_reduce %eq3A_606 {dim = 0 : i64, kind = #tpu.reduction_kind<find_first_set>} : vector<16xi1> -> vector<16xi32>
        %lt3A_608 = arith.constant 16 : i32
        %lt3A_609 = vector.broadcast %lt3A_608 : i32 to vector<16xi32>
        %lt3A_610 = arith.cmpi slt, %all_reduce_ffs3A_607, %lt3A_609 : vector<16xi32>
        %not3A_611 = arith.constant dense<true> : vector<16xi1>
        %not3A_612 = arith.xori %or3A_604, %not3A_611 : vector<16xi1>
        %and3A_613 = arith.andi %not3A_612, %lt3A_610 : vector<16xi1>
        %eq3A_614 = arith.cmpi eq, %iota3A, %all_reduce_ffs3A_607 : vector<16xi32>
        %and3A_615 = arith.andi %and3A_613, %eq3A_614 : vector<16xi1>
        %jit3A_616 = arith.constant 0xFF800000 : f32
        %broadcast_in_dim3A_617 = vector.broadcast %jit3A_616 : f32 to vector<16xf32>
        %select_n3A_618 = arith.select %and3A_615, %broadcast_in_dim3A_617, %scan3A_424 : vector<16xi1>, vector<16xf32>
        %add3A_619 = arith.constant 128 : i32
        %add3A_620 = vector.broadcast %add3A_619 : i32 to vector<16xi32>
        %add3A_621 = arith.addi %add3A_620, %all_reduce_ffs3A_607 : vector<16xi32>
        %select_n3A_622 = arith.select %and3A_613, %add3A_621, %select_n3A_603 : vector<16xi1>, vector<16xi32>
        %or3A_623 = arith.ori %or3A_604, %lt3A_610 : vector<16xi1>
        %eq3A_624 = vector.broadcast %reduce_max3A_451 : f32 to vector<16xf32>
        %eq3A_625 = arith.cmpf oeq, %scan3A_425, %eq3A_624 : vector<16xf32>
        %all_reduce_ffs3A_626 = tpu.all_reduce %eq3A_625 {dim = 0 : i64, kind = #tpu.reduction_kind<find_first_set>} : vector<16xi1> -> vector<16xi32>
        %lt3A_627 = arith.constant 16 : i32
        %lt3A_628 = vector.broadcast %lt3A_627 : i32 to vector<16xi32>
        %lt3A_629 = arith.cmpi slt, %all_reduce_ffs3A_626, %lt3A_628 : vector<16xi32>
        %not3A_630 = arith.constant dense<true> : vector<16xi1>
        %not3A_631 = arith.xori %or3A_623, %not3A_630 : vector<16xi1>
        %and3A_632 = arith.andi %not3A_631, %lt3A_629 : vector<16xi1>
        %eq3A_633 = arith.cmpi eq, %iota3A, %all_reduce_ffs3A_626 : vector<16xi32>
        %and3A_634 = arith.andi %and3A_632, %eq3A_633 : vector<16xi1>
        %jit3A_635 = arith.constant 0xFF800000 : f32
        %broadcast_in_dim3A_636 = vector.broadcast %jit3A_635 : f32 to vector<16xf32>
        %select_n3A_637 = arith.select %and3A_634, %broadcast_in_dim3A_636, %scan3A_425 : vector<16xi1>, vector<16xf32>
        %add3A_638 = arith.constant 144 : i32
        %add3A_639 = vector.broadcast %add3A_638 : i32 to vector<16xi32>
        %add3A_640 = arith.addi %add3A_639, %all_reduce_ffs3A_626 : vector<16xi32>
        %select_n3A_641 = arith.select %and3A_632, %add3A_640, %select_n3A_622 : vector<16xi1>, vector<16xi32>
        %or3A_642 = arith.ori %or3A_623, %lt3A_629 : vector<16xi1>
        %eq3A_643 = vector.broadcast %reduce_max3A_451 : f32 to vector<16xf32>
        %eq3A_644 = arith.cmpf oeq, %scan3A_426, %eq3A_643 : vector<16xf32>
        %all_reduce_ffs3A_645 = tpu.all_reduce %eq3A_644 {dim = 0 : i64, kind = #tpu.reduction_kind<find_first_set>} : vector<16xi1> -> vector<16xi32>
        %lt3A_646 = arith.constant 16 : i32
        %lt3A_647 = vector.broadcast %lt3A_646 : i32 to vector<16xi32>
        %lt3A_648 = arith.cmpi slt, %all_reduce_ffs3A_645, %lt3A_647 : vector<16xi32>
        %not3A_649 = arith.constant dense<true> : vector<16xi1>
        %not3A_650 = arith.xori %or3A_642, %not3A_649 : vector<16xi1>
        %and3A_651 = arith.andi %not3A_650, %lt3A_648 : vector<16xi1>
        %eq3A_652 = arith.cmpi eq, %iota3A, %all_reduce_ffs3A_645 : vector<16xi32>
        %and3A_653 = arith.andi %and3A_651, %eq3A_652 : vector<16xi1>
        %jit3A_654 = arith.constant 0xFF800000 : f32
        %broadcast_in_dim3A_655 = vector.broadcast %jit3A_654 : f32 to vector<16xf32>
        %select_n3A_656 = arith.select %and3A_653, %broadcast_in_dim3A_655, %scan3A_426 : vector<16xi1>, vector<16xf32>
        %add3A_657 = arith.constant 160 : i32
        %add3A_658 = vector.broadcast %add3A_657 : i32 to vector<16xi32>
        %add3A_659 = arith.addi %add3A_658, %all_reduce_ffs3A_645 : vector<16xi32>
        %select_n3A_660 = arith.select %and3A_651, %add3A_659, %select_n3A_641 : vector<16xi1>, vector<16xi32>
        %or3A_661 = arith.ori %or3A_642, %lt3A_648 : vector<16xi1>
        %eq3A_662 = vector.broadcast %reduce_max3A_451 : f32 to vector<16xf32>
        %eq3A_663 = arith.cmpf oeq, %scan3A_427, %eq3A_662 : vector<16xf32>
        %all_reduce_ffs3A_664 = tpu.all_reduce %eq3A_663 {dim = 0 : i64, kind = #tpu.reduction_kind<find_first_set>} : vector<16xi1> -> vector<16xi32>
        %lt3A_665 = arith.constant 16 : i32
        %lt3A_666 = vector.broadcast %lt3A_665 : i32 to vector<16xi32>
        %lt3A_667 = arith.cmpi slt, %all_reduce_ffs3A_664, %lt3A_666 : vector<16xi32>
        %not3A_668 = arith.constant dense<true> : vector<16xi1>
        %not3A_669 = arith.xori %or3A_661, %not3A_668 : vector<16xi1>
        %and3A_670 = arith.andi %not3A_669, %lt3A_667 : vector<16xi1>
        %eq3A_671 = arith.cmpi eq, %iota3A, %all_reduce_ffs3A_664 : vector<16xi32>
        %and3A_672 = arith.andi %and3A_670, %eq3A_671 : vector<16xi1>
        %jit3A_673 = arith.constant 0xFF800000 : f32
        %broadcast_in_dim3A_674 = vector.broadcast %jit3A_673 : f32 to vector<16xf32>
        %select_n3A_675 = arith.select %and3A_672, %broadcast_in_dim3A_674, %scan3A_427 : vector<16xi1>, vector<16xf32>
        %add3A_676 = arith.constant 176 : i32
        %add3A_677 = vector.broadcast %add3A_676 : i32 to vector<16xi32>
        %add3A_678 = arith.addi %add3A_677, %all_reduce_ffs3A_664 : vector<16xi32>
        %select_n3A_679 = arith.select %and3A_670, %add3A_678, %select_n3A_660 : vector<16xi1>, vector<16xi32>
        %or3A_680 = arith.ori %or3A_661, %lt3A_667 : vector<16xi1>
        %eq3A_681 = vector.broadcast %reduce_max3A_451 : f32 to vector<16xf32>
        %eq3A_682 = arith.cmpf oeq, %scan3A_428, %eq3A_681 : vector<16xf32>
        %all_reduce_ffs3A_683 = tpu.all_reduce %eq3A_682 {dim = 0 : i64, kind = #tpu.reduction_kind<find_first_set>} : vector<16xi1> -> vector<16xi32>
        %lt3A_684 = arith.constant 16 : i32
        %lt3A_685 = vector.broadcast %lt3A_684 : i32 to vector<16xi32>
        %lt3A_686 = arith.cmpi slt, %all_reduce_ffs3A_683, %lt3A_685 : vector<16xi32>
        %not3A_687 = arith.constant dense<true> : vector<16xi1>
        %not3A_688 = arith.xori %or3A_680, %not3A_687 : vector<16xi1>
        %and3A_689 = arith.andi %not3A_688, %lt3A_686 : vector<16xi1>
        %eq3A_690 = arith.cmpi eq, %iota3A, %all_reduce_ffs3A_683 : vector<16xi32>
        %and3A_691 = arith.andi %and3A_689, %eq3A_690 : vector<16xi1>
        %jit3A_692 = arith.constant 0xFF800000 : f32
        %broadcast_in_dim3A_693 = vector.broadcast %jit3A_692 : f32 to vector<16xf32>
        %select_n3A_694 = arith.select %and3A_691, %broadcast_in_dim3A_693, %scan3A_428 : vector<16xi1>, vector<16xf32>
        %add3A_695 = arith.constant 192 : i32
        %add3A_696 = vector.broadcast %add3A_695 : i32 to vector<16xi32>
        %add3A_697 = arith.addi %add3A_696, %all_reduce_ffs3A_683 : vector<16xi32>
        %select_n3A_698 = arith.select %and3A_689, %add3A_697, %select_n3A_679 : vector<16xi1>, vector<16xi32>
        %or3A_699 = arith.ori %or3A_680, %lt3A_686 : vector<16xi1>
        %eq3A_700 = vector.broadcast %reduce_max3A_451 : f32 to vector<16xf32>
        %eq3A_701 = arith.cmpf oeq, %scan3A_429, %eq3A_700 : vector<16xf32>
        %all_reduce_ffs3A_702 = tpu.all_reduce %eq3A_701 {dim = 0 : i64, kind = #tpu.reduction_kind<find_first_set>} : vector<16xi1> -> vector<16xi32>
        %lt3A_703 = arith.constant 16 : i32
        %lt3A_704 = vector.broadcast %lt3A_703 : i32 to vector<16xi32>
        %lt3A_705 = arith.cmpi slt, %all_reduce_ffs3A_702, %lt3A_704 : vector<16xi32>
        %not3A_706 = arith.constant dense<true> : vector<16xi1>
        %not3A_707 = arith.xori %or3A_699, %not3A_706 : vector<16xi1>
        %and3A_708 = arith.andi %not3A_707, %lt3A_705 : vector<16xi1>
        %eq3A_709 = arith.cmpi eq, %iota3A, %all_reduce_ffs3A_702 : vector<16xi32>
        %and3A_710 = arith.andi %and3A_708, %eq3A_709 : vector<16xi1>
        %jit3A_711 = arith.constant 0xFF800000 : f32
        %broadcast_in_dim3A_712 = vector.broadcast %jit3A_711 : f32 to vector<16xf32>
        %select_n3A_713 = arith.select %and3A_710, %broadcast_in_dim3A_712, %scan3A_429 : vector<16xi1>, vector<16xf32>
        %add3A_714 = arith.constant 208 : i32
        %add3A_715 = vector.broadcast %add3A_714 : i32 to vector<16xi32>
        %add3A_716 = arith.addi %add3A_715, %all_reduce_ffs3A_702 : vector<16xi32>
        %select_n3A_717 = arith.select %and3A_708, %add3A_716, %select_n3A_698 : vector<16xi1>, vector<16xi32>
        %or3A_718 = arith.ori %or3A_699, %lt3A_705 : vector<16xi1>
        %eq3A_719 = vector.broadcast %reduce_max3A_451 : f32 to vector<16xf32>
        %eq3A_720 = arith.cmpf oeq, %scan3A_430, %eq3A_719 : vector<16xf32>
        %all_reduce_ffs3A_721 = tpu.all_reduce %eq3A_720 {dim = 0 : i64, kind = #tpu.reduction_kind<find_first_set>} : vector<16xi1> -> vector<16xi32>
        %lt3A_722 = arith.constant 16 : i32
        %lt3A_723 = vector.broadcast %lt3A_722 : i32 to vector<16xi32>
        %lt3A_724 = arith.cmpi slt, %all_reduce_ffs3A_721, %lt3A_723 : vector<16xi32>
        %not3A_725 = arith.constant dense<true> : vector<16xi1>
        %not3A_726 = arith.xori %or3A_718, %not3A_725 : vector<16xi1>
        %and3A_727 = arith.andi %not3A_726, %lt3A_724 : vector<16xi1>
        %eq3A_728 = arith.cmpi eq, %iota3A, %all_reduce_ffs3A_721 : vector<16xi32>
        %and3A_729 = arith.andi %and3A_727, %eq3A_728 : vector<16xi1>
        %jit3A_730 = arith.constant 0xFF800000 : f32
        %broadcast_in_dim3A_731 = vector.broadcast %jit3A_730 : f32 to vector<16xf32>
        %select_n3A_732 = arith.select %and3A_729, %broadcast_in_dim3A_731, %scan3A_430 : vector<16xi1>, vector<16xf32>
        %add3A_733 = arith.constant 224 : i32
        %add3A_734 = vector.broadcast %add3A_733 : i32 to vector<16xi32>
        %add3A_735 = arith.addi %add3A_734, %all_reduce_ffs3A_721 : vector<16xi32>
        %select_n3A_736 = arith.select %and3A_727, %add3A_735, %select_n3A_717 : vector<16xi1>, vector<16xi32>
        %or3A_737 = arith.ori %or3A_718, %lt3A_724 : vector<16xi1>
        %eq3A_738 = vector.broadcast %reduce_max3A_451 : f32 to vector<16xf32>
        %eq3A_739 = arith.cmpf oeq, %scan3A_431, %eq3A_738 : vector<16xf32>
        %all_reduce_ffs3A_740 = tpu.all_reduce %eq3A_739 {dim = 0 : i64, kind = #tpu.reduction_kind<find_first_set>} : vector<16xi1> -> vector<16xi32>
        %lt3A_741 = arith.constant 16 : i32
        %lt3A_742 = vector.broadcast %lt3A_741 : i32 to vector<16xi32>
        %lt3A_743 = arith.cmpi slt, %all_reduce_ffs3A_740, %lt3A_742 : vector<16xi32>
        %not3A_744 = arith.constant dense<true> : vector<16xi1>
        %not3A_745 = arith.xori %or3A_737, %not3A_744 : vector<16xi1>
        %and3A_746 = arith.andi %not3A_745, %lt3A_743 : vector<16xi1>
        %eq3A_747 = arith.cmpi eq, %iota3A, %all_reduce_ffs3A_740 : vector<16xi32>
        %and3A_748 = arith.andi %and3A_746, %eq3A_747 : vector<16xi1>
        %jit3A_749 = arith.constant 0xFF800000 : f32
        %broadcast_in_dim3A_750 = vector.broadcast %jit3A_749 : f32 to vector<16xf32>
        %select_n3A_751 = arith.select %and3A_748, %broadcast_in_dim3A_750, %scan3A_431 : vector<16xi1>, vector<16xf32>
        %add3A_752 = arith.constant 240 : i32
        %add3A_753 = vector.broadcast %add3A_752 : i32 to vector<16xi32>
        %add3A_754 = arith.addi %add3A_753, %all_reduce_ffs3A_740 : vector<16xi32>
        %select_n3A_755 = arith.select %and3A_746, %add3A_754, %select_n3A_736 : vector<16xi1>, vector<16xi32>
        %or3A_756 = arith.ori %or3A_737, %lt3A_743 : vector<16xi1>
        %jit3A_757 = arith.constant 16 : i32
        %div3A_758 = arith.divsi %scan3A_415, %jit3A_757 : i32
        %sign3A_759 = arith.constant 0 : i32
        %sign3A_760 = arith.cmpi sgt, %scan3A_415, %sign3A_759 : i32
        %sign3A_761 = arith.extui %sign3A_760 : i1 to i32
        %sign3A_762 = arith.constant 0 : i32
        %sign3A_763 = arith.cmpi slt, %scan3A_415, %sign3A_762 : i32
        %sign3A_764 = arith.extui %sign3A_763 : i1 to i32
        %sign3A_765 = arith.subi %sign3A_761, %sign3A_764 : i32
        %sign3A_766 = arith.constant 0 : i32
        %sign3A_767 = arith.cmpi sgt, %jit3A_757, %sign3A_766 : i32
        %sign3A_768 = arith.extui %sign3A_767 : i1 to i32
        %sign3A_769 = arith.constant 0 : i32
        %sign3A_770 = arith.cmpi slt, %jit3A_757, %sign3A_769 : i32
        %sign3A_771 = arith.extui %sign3A_770 : i1 to i32
        %sign3A_772 = arith.subi %sign3A_768, %sign3A_771 : i32
        %ne3A_773 = arith.cmpi ne, %sign3A_765, %sign3A_772 : i32
        %rem3A_774 = arith.remsi %scan3A_415, %jit3A_757 : i32
        %ne3A_775 = arith.constant 0 : i32
        %ne3A_776 = arith.cmpi ne, %rem3A_774, %ne3A_775 : i32
        %and3A_777 = arith.andi %ne3A_773, %ne3A_776 : i1
        %sub3A_778 = arith.constant 1 : i32
        %sub3A_779 = arith.subi %div3A_758, %sub3A_778 : i32
        %select_n3A_780 = arith.select %and3A_777, %sub3A_779, %div3A_758 : i32
        %mul3A_781 = arith.constant 16 : i32
        %mul3A_782 = arith.muli %select_n3A_780, %mul3A_781 : i32
        %get3A_783 = arith.index_cast %mul3A_782 : i32 to index
        %get3A_784 = tpu.vector_load %arg8[%get3A_783] {strides = array<i32>} : memref<64xi32, #tpu.memory_space<vmem>>, vector<16xi32>,
        %sub3A_785 = arith.subi %scan3A_415, %mul3A_782 : i32
        %eq3A_786 = vector.broadcast %sub3A_785 : i32 to vector<16xi32>
        %eq3A_787 = arith.cmpi eq, %iota3A, %eq3A_786 : vector<16xi32>
        %select_n3A_788 = arith.select %eq3A_787, %select_n3A_755, %get3A_784 : vector<16xi1>, vector<16xi32>
        %swap3A_789 = arith.index_cast %mul3A_782 : i32 to index
        %swap3A_790 = tpu.vector_load %arg8[%swap3A_789] {strides = array<i32>} : memref<64xi32, #tpu.memory_space<vmem>>, vector<16xi32>,
        tpu.vector_store %arg8[%swap3A_789], %select_n3A_788 {strides = array<i32>} : memref<64xi32, #tpu.memory_space<vmem>>, vector<16xi32>,
        scf.yield %select_n3A_466, %select_n3A_485, %select_n3A_504, %select_n3A_523, %select_n3A_542, %select_n3A_561, %select_n3A_580, %select_n3A_599, %select_n3A_618, %select_n3A_637, %select_n3A_656, %select_n3A_675, %select_n3A_694, %select_n3A_713, %select_n3A_732, %select_n3A_751, %reduce_max3A_451 : vector<16xf32>, vector<16xf32>, vector<16xf32>, vector<16xf32>, vector<16xf32>, vector<16xf32>, vector<16xf32>, vector<16xf32>, vector<16xf32>, vector<16xf32>, vector<16xf32>, vector<16xf32>, vector<16xf32>, vector<16xf32>, vector<16xf32>, vector<16xf32>, f32
      }
      %scan3A_63 = arith.constant 50 : i32
      %broadcast_in_dim3A_64 = arith.constant 0 : i32
      %broadcast_in_dim3A_65 = vector.broadcast %broadcast_in_dim3A_64 : i32 to vector<16xi32>
      %scan3A_66 = arith.constant 0 : i32
      %scan3A_67 = arith.constant 50 : i32
      %scan3A_68 = arith.addi %scan3A_66, %scan3A_67 : i32
      %scan3A_69 = arith.constant 1 : i32
      %scan3A_70 = scf.for %scan3A_415 = %scan3A_66 to %scan3A_68 step %scan3A_69 iter_args(%scan3A_416 = %broadcast_in_dim3A_65) -> (vector<16xi32>)  : i32 {
        %jit3A_417 = arith.constant 16 : i32
        %div3A_418 = arith.divsi %scan3A_415, %jit3A_417 : i32
        %sign3A_419 = arith.constant 0 : i32
        %sign3A_420 = arith.cmpi sgt, %scan3A_415, %sign3A_419 : i32
        %sign3A_421 = arith.extui %sign3A_420 : i1 to i32
        %sign3A_422 = arith.constant 0 : i32
        %sign3A_423 = arith.cmpi slt, %scan3A_415, %sign3A_422 : i32
        %sign3A_424 = arith.extui %sign3A_423 : i1 to i32
        %sign3A_425 = arith.subi %sign3A_421, %sign3A_424 : i32
        %sign3A_426 = arith.constant 0 : i32
        %sign3A_427 = arith.cmpi sgt, %jit3A_417, %sign3A_426 : i32
        %sign3A_428 = arith.extui %sign3A_427 : i1 to i32
        %sign3A_429 = arith.constant 0 : i32
        %sign3A_430 = arith.cmpi slt, %jit3A_417, %sign3A_429 : i32
        %sign3A_431 = arith.extui %sign3A_430 : i1 to i32
        %sign3A_432 = arith.subi %sign3A_428, %sign3A_431 : i32
        %ne3A_433 = arith.cmpi ne, %sign3A_425, %sign3A_432 : i32
        %rem3A_434 = arith.remsi %scan3A_415, %jit3A_417 : i32
        %ne3A_435 = arith.constant 0 : i32
        %ne3A_436 = arith.cmpi ne, %rem3A_434, %ne3A_435 : i32
        %and3A_437 = arith.andi %ne3A_433, %ne3A_436 : i1
        %sub3A_438 = arith.constant 1 : i32
        %sub3A_439 = arith.subi %div3A_418, %sub3A_438 : i32
        %select_n3A_440 = arith.select %and3A_437, %sub3A_439, %div3A_418 : i32
        %mul3A_441 = arith.constant 16 : i32
        %mul3A_442 = arith.muli %select_n3A_440, %mul3A_441 : i32
        %get3A_443 = arith.index_cast %mul3A_442 : i32 to index
        %get3A_444 = tpu.vector_load %arg8[%get3A_443] {strides = array<i32>} : memref<64xi32, #tpu.memory_space<vmem>>, vector<16xi32>,
        %sub3A_445 = arith.subi %scan3A_415, %mul3A_442 : i32
        %eq3A_446 = vector.broadcast %sub3A_445 : i32 to vector<16xi32>
        %eq3A_447 = arith.cmpi eq, %iota3A, %eq3A_446 : vector<16xi32>
        %jit3A_448 = arith.constant 0 : i32
        %broadcast_in_dim3A_449 = vector.broadcast %jit3A_448 : i32 to vector<16xi32>
        %select_n3A_450 = arith.select %eq3A_447, %get3A_444, %broadcast_in_dim3A_449 : vector<16xi1>, vector<16xi32>
        %reduce_max3A_451 = arith.constant true
        %reduce_max3A_452 = vector.broadcast %reduce_max3A_451 : i1 to vector<16xi1>
        %reduce_max3A_453 = arith.constant -2147483648 : i32
        %reduce_max3A_454 = vector.broadcast %reduce_max3A_453 : i32 to vector<16xi32>
        %reduce_max3A_455 = arith.xori %select_n3A_450, %reduce_max3A_454 : vector<16xi32>
        %reduce_max3A_456 = tpu.scan <max>, %reduce_max3A_455 masked %reduce_max3A_452 : vector<16xi32>, vector<16xi1> -> vector<16xi32>
        %reduce_max3A_457 = arith.xori %reduce_max3A_456, %reduce_max3A_454 : vector<16xi32>
        %reduce_max3A_458 = vector.extract %reduce_max3A_457[15] : i32 from vector<16xi32>
        %mul3A_459 = arith.constant 400 : i32
        %mul3A_460 = arith.muli %reduce_max3A_458, %mul3A_459 : i32
        %add3A_461 = arith.constant 0 : i32
        %add3A_462 = arith.addi %mul3A_460, %add3A_461 : i32
        %get3A_463 = arith.index_cast %add3A_462 : i32 to index
        %get3A_464 = tpu.vector_load %arg5[%get3A_463] {strides = array<i32>} : memref<100000xf32, #tpu.memory_space<vmem>>, vector<16xf32>,
        %ge3A = vector.broadcast %scan3A_62#16 : f32 to vector<16xf32>
        %ge3A_465 = arith.cmpf oge, %get3A_464, %ge3A : vector<16xf32>
        %jit3A_466 = arith.constant 1 : i32
        %jit3A_467 = arith.constant 0 : i32
        %broadcast_in_dim3A_468 = vector.broadcast %jit3A_466 : i32 to vector<16xi32>
        %broadcast_in_dim3A_469 = vector.broadcast %jit3A_467 : i32 to vector<16xi32>
        %select_n3A_470 = arith.select %ge3A_465, %broadcast_in_dim3A_468, %broadcast_in_dim3A_469 : vector<16xi1>, vector<16xi32>
        %broadcast_in_dim3A_471 = arith.constant true
        %broadcast_in_dim3A_472 = vector.broadcast %broadcast_in_dim3A_471 : i1 to vector<16xi1>
        %masked_cumsum3A_473 = tpu.scan <sum>, %select_n3A_470 masked %broadcast_in_dim3A_472 : vector<16xi32>, vector<16xi1> -> vector<16xi32>
        %sub3A_474 = arith.subi %masked_cumsum3A_473, %select_n3A_470 : vector<16xi32>
        %all_reduce_population_count3A = tpu.all_reduce %ge3A_465 {dim = 0 : i64, kind = #tpu.reduction_kind<sum>} : vector<16xi1> -> vector<16xi32>
        %add3A_475 = arith.constant 16 : i32
        %add3A_476 = arith.addi %mul3A_460, %add3A_475 : i32
        %get3A_477 = arith.index_cast %add3A_476 : i32 to index
        %get3A_478 = tpu.vector_load %arg5[%get3A_477] {strides = array<i32>} : memref<100000xf32, #tpu.memory_space<vmem>>, vector<16xf32>,
        %ge3A_479 = vector.broadcast %scan3A_62#16 : f32 to vector<16xf32>
        %ge3A_480 = arith.cmpf oge, %get3A_478, %ge3A_479 : vector<16xf32>
        %jit3A_481 = arith.constant 1 : i32
        %jit3A_482 = arith.constant 0 : i32
        %broadcast_in_dim3A_483 = vector.broadcast %jit3A_481 : i32 to vector<16xi32>
        %broadcast_in_dim3A_484 = vector.broadcast %jit3A_482 : i32 to vector<16xi32>
        %select_n3A_485 = arith.select %ge3A_480, %broadcast_in_dim3A_483, %broadcast_in_dim3A_484 : vector<16xi1>, vector<16xi32>
        %broadcast_in_dim3A_486 = arith.constant true
        %broadcast_in_dim3A_487 = vector.broadcast %broadcast_in_dim3A_486 : i1 to vector<16xi1>
        %masked_cumsum3A_488 = tpu.scan <sum>, %select_n3A_485 masked %broadcast_in_dim3A_487 : vector<16xi32>, vector<16xi1> -> vector<16xi32>
        %sub3A_489 = arith.subi %masked_cumsum3A_488, %select_n3A_485 : vector<16xi32>
        %all_reduce_population_count3A_490 = tpu.all_reduce %ge3A_480 {dim = 0 : i64, kind = #tpu.reduction_kind<sum>} : vector<16xi1> -> vector<16xi32>
        %add3A_491 = arith.constant 32 : i32
        %add3A_492 = arith.addi %mul3A_460, %add3A_491 : i32
        %get3A_493 = arith.index_cast %add3A_492 : i32 to index
        %get3A_494 = tpu.vector_load %arg5[%get3A_493] {strides = array<i32>} : memref<100000xf32, #tpu.memory_space<vmem>>, vector<16xf32>,
        %ge3A_495 = vector.broadcast %scan3A_62#16 : f32 to vector<16xf32>
        %ge3A_496 = arith.cmpf oge, %get3A_494, %ge3A_495 : vector<16xf32>
        %jit3A_497 = arith.constant 1 : i32
        %jit3A_498 = arith.constant 0 : i32
        %broadcast_in_dim3A_499 = vector.broadcast %jit3A_497 : i32 to vector<16xi32>
        %broadcast_in_dim3A_500 = vector.broadcast %jit3A_498 : i32 to vector<16xi32>
        %select_n3A_501 = arith.select %ge3A_496, %broadcast_in_dim3A_499, %broadcast_in_dim3A_500 : vector<16xi1>, vector<16xi32>
        %broadcast_in_dim3A_502 = arith.constant true
        %broadcast_in_dim3A_503 = vector.broadcast %broadcast_in_dim3A_502 : i1 to vector<16xi1>
        %masked_cumsum3A_504 = tpu.scan <sum>, %select_n3A_501 masked %broadcast_in_dim3A_503 : vector<16xi32>, vector<16xi1> -> vector<16xi32>
        %sub3A_505 = arith.subi %masked_cumsum3A_504, %select_n3A_501 : vector<16xi32>
        %all_reduce_population_count3A_506 = tpu.all_reduce %ge3A_496 {dim = 0 : i64, kind = #tpu.reduction_kind<sum>} : vector<16xi1> -> vector<16xi32>
        %add3A_507 = arith.addi %scan3A_416, %sub3A_474 : vector<16xi32>
        %min3A_508 = arith.constant 2047 : i32
        %min3A_509 = vector.broadcast %min3A_508 : i32 to vector<16xi32>
        %min3A_510 = arith.minsi %add3A_507, %min3A_509 : vector<16xi32>
        tpu.vector_store_idx %arg6[%min3A_510], %get3A_464 masked %ge3A_465 : memref<2048xf32, #tpu.memory_space<vmem>>[vector<16xi32>], vector<16xf32>, vector<16xi1>
        %add3A_511 = arith.addi %scan3A_416, %all_reduce_population_count3A : vector<16xi32>
        %add3A_512 = arith.addi %add3A_511, %sub3A_489 : vector<16xi32>
        %min3A_513 = arith.constant 2047 : i32
        %min3A_514 = vector.broadcast %min3A_513 : i32 to vector<16xi32>
        %min3A_515 = arith.minsi %add3A_512, %min3A_514 : vector<16xi32>
        tpu.vector_store_idx %arg6[%min3A_515], %get3A_478 masked %ge3A_480 : memref<2048xf32, #tpu.memory_space<vmem>>[vector<16xi32>], vector<16xf32>, vector<16xi1>
        %add3A_516 = arith.addi %add3A_511, %all_reduce_population_count3A_490 : vector<16xi32>
        %add3A_517 = arith.addi %add3A_516, %sub3A_505 : vector<16xi32>
        %min3A_518 = arith.constant 2047 : i32
        %min3A_519 = vector.broadcast %min3A_518 : i32 to vector<16xi32>
        %min3A_520 = arith.minsi %add3A_517, %min3A_519 : vector<16xi32>
        tpu.vector_store_idx %arg6[%min3A_520], %get3A_494 masked %ge3A_496 : memref<2048xf32, #tpu.memory_space<vmem>>[vector<16xi32>], vector<16xf32>, vector<16xi1>
        %add3A_521 = arith.addi %add3A_516, %all_reduce_population_count3A_506 : vector<16xi32>
        %add3A_522 = arith.constant 48 : i32
        %add3A_523 = arith.addi %mul3A_460, %add3A_522 : i32
        %get3A_524 = arith.index_cast %add3A_523 : i32 to index
        %get3A_525 = tpu.vector_load %arg5[%get3A_524] {strides = array<i32>} : memref<100000xf32, #tpu.memory_space<vmem>>, vector<16xf32>,
        %ge3A_526 = vector.broadcast %scan3A_62#16 : f32 to vector<16xf32>
        %ge3A_527 = arith.cmpf oge, %get3A_525, %ge3A_526 : vector<16xf32>
        %jit3A_528 = arith.constant 1 : i32
        %jit3A_529 = arith.constant 0 : i32
        %broadcast_in_dim3A_530 = vector.broadcast %jit3A_528 : i32 to vector<16xi32>
        %broadcast_in_dim3A_531 = vector.broadcast %jit3A_529 : i32 to vector<16xi32>
        %select_n3A_532 = arith.select %ge3A_527, %broadcast_in_dim3A_530, %broadcast_in_dim3A_531 : vector<16xi1>, vector<16xi32>
        %broadcast_in_dim3A_533 = arith.constant true
        %broadcast_in_dim3A_534 = vector.broadcast %broadcast_in_dim3A_533 : i1 to vector<16xi1>
        %masked_cumsum3A_535 = tpu.scan <sum>, %select_n3A_532 masked %broadcast_in_dim3A_534 : vector<16xi32>, vector<16xi1> -> vector<16xi32>
        %sub3A_536 = arith.subi %masked_cumsum3A_535, %select_n3A_532 : vector<16xi32>
        %all_reduce_population_count3A_537 = tpu.all_reduce %ge3A_527 {dim = 0 : i64, kind = #tpu.reduction_kind<sum>} : vector<16xi1> -> vector<16xi32>
        %add3A_538 = arith.constant 64 : i32
        %add3A_539 = arith.addi %mul3A_460, %add3A_538 : i32
        %get3A_540 = arith.index_cast %add3A_539 : i32 to index
        %get3A_541 = tpu.vector_load %arg5[%get3A_540] {strides = array<i32>} : memref<100000xf32, #tpu.memory_space<vmem>>, vector<16xf32>,
        %ge3A_542 = vector.broadcast %scan3A_62#16 : f32 to vector<16xf32>
        %ge3A_543 = arith.cmpf oge, %get3A_541, %ge3A_542 : vector<16xf32>
        %jit3A_544 = arith.constant 1 : i32
        %jit3A_545 = arith.constant 0 : i32
        %broadcast_in_dim3A_546 = vector.broadcast %jit3A_544 : i32 to vector<16xi32>
        %broadcast_in_dim3A_547 = vector.broadcast %jit3A_545 : i32 to vector<16xi32>
        %select_n3A_548 = arith.select %ge3A_543, %broadcast_in_dim3A_546, %broadcast_in_dim3A_547 : vector<16xi1>, vector<16xi32>
        %broadcast_in_dim3A_549 = arith.constant true
        %broadcast_in_dim3A_550 = vector.broadcast %broadcast_in_dim3A_549 : i1 to vector<16xi1>
        %masked_cumsum3A_551 = tpu.scan <sum>, %select_n3A_548 masked %broadcast_in_dim3A_550 : vector<16xi32>, vector<16xi1> -> vector<16xi32>
        %sub3A_552 = arith.subi %masked_cumsum3A_551, %select_n3A_548 : vector<16xi32>
        %all_reduce_population_count3A_553 = tpu.all_reduce %ge3A_543 {dim = 0 : i64, kind = #tpu.reduction_kind<sum>} : vector<16xi1> -> vector<16xi32>
        %add3A_554 = arith.constant 80 : i32
        %add3A_555 = arith.addi %mul3A_460, %add3A_554 : i32
        %get3A_556 = arith.index_cast %add3A_555 : i32 to index
        %get3A_557 = tpu.vector_load %arg5[%get3A_556] {strides = array<i32>} : memref<100000xf32, #tpu.memory_space<vmem>>, vector<16xf32>,
        %ge3A_558 = vector.broadcast %scan3A_62#16 : f32 to vector<16xf32>
        %ge3A_559 = arith.cmpf oge, %get3A_557, %ge3A_558 : vector<16xf32>
        %jit3A_560 = arith.constant 1 : i32
        %jit3A_561 = arith.constant 0 : i32
        %broadcast_in_dim3A_562 = vector.broadcast %jit3A_560 : i32 to vector<16xi32>
        %broadcast_in_dim3A_563 = vector.broadcast %jit3A_561 : i32 to vector<16xi32>
        %select_n3A_564 = arith.select %ge3A_559, %broadcast_in_dim3A_562, %broadcast_in_dim3A_563 : vector<16xi1>, vector<16xi32>
        %broadcast_in_dim3A_565 = arith.constant true
        %broadcast_in_dim3A_566 = vector.broadcast %broadcast_in_dim3A_565 : i1 to vector<16xi1>
        %masked_cumsum3A_567 = tpu.scan <sum>, %select_n3A_564 masked %broadcast_in_dim3A_566 : vector<16xi32>, vector<16xi1> -> vector<16xi32>
        %sub3A_568 = arith.subi %masked_cumsum3A_567, %select_n3A_564 : vector<16xi32>
        %all_reduce_population_count3A_569 = tpu.all_reduce %ge3A_559 {dim = 0 : i64, kind = #tpu.reduction_kind<sum>} : vector<16xi1> -> vector<16xi32>
        %add3A_570 = arith.addi %add3A_521, %sub3A_536 : vector<16xi32>
        %min3A_571 = arith.constant 2047 : i32
        %min3A_572 = vector.broadcast %min3A_571 : i32 to vector<16xi32>
        %min3A_573 = arith.minsi %add3A_570, %min3A_572 : vector<16xi32>
        tpu.vector_store_idx %arg6[%min3A_573], %get3A_525 masked %ge3A_527 : memref<2048xf32, #tpu.memory_space<vmem>>[vector<16xi32>], vector<16xf32>, vector<16xi1>
        %add3A_574 = arith.addi %add3A_521, %all_reduce_population_count3A_537 : vector<16xi32>
        %add3A_575 = arith.addi %add3A_574, %sub3A_552 : vector<16xi32>
        %min3A_576 = arith.constant 2047 : i32
        %min3A_577 = vector.broadcast %min3A_576 : i32 to vector<16xi32>
        %min3A_578 = arith.minsi %add3A_575, %min3A_577 : vector<16xi32>
        tpu.vector_store_idx %arg6[%min3A_578], %get3A_541 masked %ge3A_543 : memref<2048xf32, #tpu.memory_space<vmem>>[vector<16xi32>], vector<16xf32>, vector<16xi1>
        %add3A_579 = arith.addi %add3A_574, %all_reduce_population_count3A_553 : vector<16xi32>
        %add3A_580 = arith.addi %add3A_579, %sub3A_568 : vector<16xi32>
        %min3A_581 = arith.constant 2047 : i32
        %min3A_582 = vector.broadcast %min3A_581 : i32 to vector<16xi32>
        %min3A_583 = arith.minsi %add3A_580, %min3A_582 : vector<16xi32>
        tpu.vector_store_idx %arg6[%min3A_583], %get3A_557 masked %ge3A_559 : memref<2048xf32, #tpu.memory_space<vmem>>[vector<16xi32>], vector<16xf32>, vector<16xi1>
        %add3A_584 = arith.addi %add3A_579, %all_reduce_population_count3A_569 : vector<16xi32>
        %add3A_585 = arith.constant 96 : i32
        %add3A_586 = arith.addi %mul3A_460, %add3A_585 : i32
        %get3A_587 = arith.index_cast %add3A_586 : i32 to index
        %get3A_588 = tpu.vector_load %arg5[%get3A_587] {strides = array<i32>} : memref<100000xf32, #tpu.memory_space<vmem>>, vector<16xf32>,
        %ge3A_589 = vector.broadcast %scan3A_62#16 : f32 to vector<16xf32>
        %ge3A_590 = arith.cmpf oge, %get3A_588, %ge3A_589 : vector<16xf32>
        %jit3A_591 = arith.constant 1 : i32
        %jit3A_592 = arith.constant 0 : i32
        %broadcast_in_dim3A_593 = vector.broadcast %jit3A_591 : i32 to vector<16xi32>
        %broadcast_in_dim3A_594 = vector.broadcast %jit3A_592 : i32 to vector<16xi32>
        %select_n3A_595 = arith.select %ge3A_590, %broadcast_in_dim3A_593, %broadcast_in_dim3A_594 : vector<16xi1>, vector<16xi32>
        %broadcast_in_dim3A_596 = arith.constant true
        %broadcast_in_dim3A_597 = vector.broadcast %broadcast_in_dim3A_596 : i1 to vector<16xi1>
        %masked_cumsum3A_598 = tpu.scan <sum>, %select_n3A_595 masked %broadcast_in_dim3A_597 : vector<16xi32>, vector<16xi1> -> vector<16xi32>
        %sub3A_599 = arith.subi %masked_cumsum3A_598, %select_n3A_595 : vector<16xi32>
        %all_reduce_population_count3A_600 = tpu.all_reduce %ge3A_590 {dim = 0 : i64, kind = #tpu.reduction_kind<sum>} : vector<16xi1> -> vector<16xi32>
        %add3A_601 = arith.constant 112 : i32
        %add3A_602 = arith.addi %mul3A_460, %add3A_601 : i32
        %get3A_603 = arith.index_cast %add3A_602 : i32 to index
        %get3A_604 = tpu.vector_load %arg5[%get3A_603] {strides = array<i32>} : memref<100000xf32, #tpu.memory_space<vmem>>, vector<16xf32>,
        %ge3A_605 = vector.broadcast %scan3A_62#16 : f32 to vector<16xf32>
        %ge3A_606 = arith.cmpf oge, %get3A_604, %ge3A_605 : vector<16xf32>
        %jit3A_607 = arith.constant 1 : i32
        %jit3A_608 = arith.constant 0 : i32
        %broadcast_in_dim3A_609 = vector.broadcast %jit3A_607 : i32 to vector<16xi32>
        %broadcast_in_dim3A_610 = vector.broadcast %jit3A_608 : i32 to vector<16xi32>
        %select_n3A_611 = arith.select %ge3A_606, %broadcast_in_dim3A_609, %broadcast_in_dim3A_610 : vector<16xi1>, vector<16xi32>
        %broadcast_in_dim3A_612 = arith.constant true
        %broadcast_in_dim3A_613 = vector.broadcast %broadcast_in_dim3A_612 : i1 to vector<16xi1>
        %masked_cumsum3A_614 = tpu.scan <sum>, %select_n3A_611 masked %broadcast_in_dim3A_613 : vector<16xi32>, vector<16xi1> -> vector<16xi32>
        %sub3A_615 = arith.subi %masked_cumsum3A_614, %select_n3A_611 : vector<16xi32>
        %all_reduce_population_count3A_616 = tpu.all_reduce %ge3A_606 {dim = 0 : i64, kind = #tpu.reduction_kind<sum>} : vector<16xi1> -> vector<16xi32>
        %add3A_617 = arith.constant 128 : i32
        %add3A_618 = arith.addi %mul3A_460, %add3A_617 : i32
        %get3A_619 = arith.index_cast %add3A_618 : i32 to index
        %get3A_620 = tpu.vector_load %arg5[%get3A_619] {strides = array<i32>} : memref<100000xf32, #tpu.memory_space<vmem>>, vector<16xf32>,
        %ge3A_621 = vector.broadcast %scan3A_62#16 : f32 to vector<16xf32>
        %ge3A_622 = arith.cmpf oge, %get3A_620, %ge3A_621 : vector<16xf32>
        %jit3A_623 = arith.constant 1 : i32
        %jit3A_624 = arith.constant 0 : i32
        %broadcast_in_dim3A_625 = vector.broadcast %jit3A_623 : i32 to vector<16xi32>
        %broadcast_in_dim3A_626 = vector.broadcast %jit3A_624 : i32 to vector<16xi32>
        %select_n3A_627 = arith.select %ge3A_622, %broadcast_in_dim3A_625, %broadcast_in_dim3A_626 : vector<16xi1>, vector<16xi32>
        %broadcast_in_dim3A_628 = arith.constant true
        %broadcast_in_dim3A_629 = vector.broadcast %broadcast_in_dim3A_628 : i1 to vector<16xi1>
        %masked_cumsum3A_630 = tpu.scan <sum>, %select_n3A_627 masked %broadcast_in_dim3A_629 : vector<16xi32>, vector<16xi1> -> vector<16xi32>
        %sub3A_631 = arith.subi %masked_cumsum3A_630, %select_n3A_627 : vector<16xi32>
        %all_reduce_population_count3A_632 = tpu.all_reduce %ge3A_622 {dim = 0 : i64, kind = #tpu.reduction_kind<sum>} : vector<16xi1> -> vector<16xi32>
        %add3A_633 = arith.addi %add3A_584, %sub3A_599 : vector<16xi32>
        %min3A_634 = arith.constant 2047 : i32
        %min3A_635 = vector.broadcast %min3A_634 : i32 to vector<16xi32>
        %min3A_636 = arith.minsi %add3A_633, %min3A_635 : vector<16xi32>
        tpu.vector_store_idx %arg6[%min3A_636], %get3A_588 masked %ge3A_590 : memref<2048xf32, #tpu.memory_space<vmem>>[vector<16xi32>], vector<16xf32>, vector<16xi1>
        %add3A_637 = arith.addi %add3A_584, %all_reduce_population_count3A_600 : vector<16xi32>
        %add3A_638 = arith.addi %add3A_637, %sub3A_615 : vector<16xi32>
        %min3A_639 = arith.constant 2047 : i32
        %min3A_640 = vector.broadcast %min3A_639 : i32 to vector<16xi32>
        %min3A_641 = arith.minsi %add3A_638, %min3A_640 : vector<16xi32>
        tpu.vector_store_idx %arg6[%min3A_641], %get3A_604 masked %ge3A_606 : memref<2048xf32, #tpu.memory_space<vmem>>[vector<16xi32>], vector<16xf32>, vector<16xi1>
        %add3A_642 = arith.addi %add3A_637, %all_reduce_population_count3A_616 : vector<16xi32>
        %add3A_643 = arith.addi %add3A_642, %sub3A_631 : vector<16xi32>
        %min3A_644 = arith.constant 2047 : i32
        %min3A_645 = vector.broadcast %min3A_644 : i32 to vector<16xi32>
        %min3A_646 = arith.minsi %add3A_643, %min3A_645 : vector<16xi32>
        tpu.vector_store_idx %arg6[%min3A_646], %get3A_620 masked %ge3A_622 : memref<2048xf32, #tpu.memory_space<vmem>>[vector<16xi32>], vector<16xf32>, vector<16xi1>
        %add3A_647 = arith.addi %add3A_642, %all_reduce_population_count3A_632 : vector<16xi32>
        %add3A_648 = arith.constant 144 : i32
        %add3A_649 = arith.addi %mul3A_460, %add3A_648 : i32
        %get3A_650 = arith.index_cast %add3A_649 : i32 to index
        %get3A_651 = tpu.vector_load %arg5[%get3A_650] {strides = array<i32>} : memref<100000xf32, #tpu.memory_space<vmem>>, vector<16xf32>,
        %ge3A_652 = vector.broadcast %scan3A_62#16 : f32 to vector<16xf32>
        %ge3A_653 = arith.cmpf oge, %get3A_651, %ge3A_652 : vector<16xf32>
        %jit3A_654 = arith.constant 1 : i32
        %jit3A_655 = arith.constant 0 : i32
        %broadcast_in_dim3A_656 = vector.broadcast %jit3A_654 : i32 to vector<16xi32>
        %broadcast_in_dim3A_657 = vector.broadcast %jit3A_655 : i32 to vector<16xi32>
        %select_n3A_658 = arith.select %ge3A_653, %broadcast_in_dim3A_656, %broadcast_in_dim3A_657 : vector<16xi1>, vector<16xi32>
        %broadcast_in_dim3A_659 = arith.constant true
        %broadcast_in_dim3A_660 = vector.broadcast %broadcast_in_dim3A_659 : i1 to vector<16xi1>
        %masked_cumsum3A_661 = tpu.scan <sum>, %select_n3A_658 masked %broadcast_in_dim3A_660 : vector<16xi32>, vector<16xi1> -> vector<16xi32>
        %sub3A_662 = arith.subi %masked_cumsum3A_661, %select_n3A_658 : vector<16xi32>
        %all_reduce_population_count3A_663 = tpu.all_reduce %ge3A_653 {dim = 0 : i64, kind = #tpu.reduction_kind<sum>} : vector<16xi1> -> vector<16xi32>
        %add3A_664 = arith.constant 160 : i32
        %add3A_665 = arith.addi %mul3A_460, %add3A_664 : i32
        %get3A_666 = arith.index_cast %add3A_665 : i32 to index
        %get3A_667 = tpu.vector_load %arg5[%get3A_666] {strides = array<i32>} : memref<100000xf32, #tpu.memory_space<vmem>>, vector<16xf32>,
        %ge3A_668 = vector.broadcast %scan3A_62#16 : f32 to vector<16xf32>
        %ge3A_669 = arith.cmpf oge, %get3A_667, %ge3A_668 : vector<16xf32>
        %jit3A_670 = arith.constant 1 : i32
        %jit3A_671 = arith.constant 0 : i32
        %broadcast_in_dim3A_672 = vector.broadcast %jit3A_670 : i32 to vector<16xi32>
        %broadcast_in_dim3A_673 = vector.broadcast %jit3A_671 : i32 to vector<16xi32>
        %select_n3A_674 = arith.select %ge3A_669, %broadcast_in_dim3A_672, %broadcast_in_dim3A_673 : vector<16xi1>, vector<16xi32>
        %broadcast_in_dim3A_675 = arith.constant true
        %broadcast_in_dim3A_676 = vector.broadcast %broadcast_in_dim3A_675 : i1 to vector<16xi1>
        %masked_cumsum3A_677 = tpu.scan <sum>, %select_n3A_674 masked %broadcast_in_dim3A_676 : vector<16xi32>, vector<16xi1> -> vector<16xi32>
        %sub3A_678 = arith.subi %masked_cumsum3A_677, %select_n3A_674 : vector<16xi32>
        %all_reduce_population_count3A_679 = tpu.all_reduce %ge3A_669 {dim = 0 : i64, kind = #tpu.reduction_kind<sum>} : vector<16xi1> -> vector<16xi32>
        %add3A_680 = arith.constant 176 : i32
        %add3A_681 = arith.addi %mul3A_460, %add3A_680 : i32
        %get3A_682 = arith.index_cast %add3A_681 : i32 to index
        %get3A_683 = tpu.vector_load %arg5[%get3A_682] {strides = array<i32>} : memref<100000xf32, #tpu.memory_space<vmem>>, vector<16xf32>,
        %ge3A_684 = vector.broadcast %scan3A_62#16 : f32 to vector<16xf32>
        %ge3A_685 = arith.cmpf oge, %get3A_683, %ge3A_684 : vector<16xf32>
        %jit3A_686 = arith.constant 1 : i32
        %jit3A_687 = arith.constant 0 : i32
        %broadcast_in_dim3A_688 = vector.broadcast %jit3A_686 : i32 to vector<16xi32>
        %broadcast_in_dim3A_689 = vector.broadcast %jit3A_687 : i32 to vector<16xi32>
        %select_n3A_690 = arith.select %ge3A_685, %broadcast_in_dim3A_688, %broadcast_in_dim3A_689 : vector<16xi1>, vector<16xi32>
        %broadcast_in_dim3A_691 = arith.constant true
        %broadcast_in_dim3A_692 = vector.broadcast %broadcast_in_dim3A_691 : i1 to vector<16xi1>
        %masked_cumsum3A_693 = tpu.scan <sum>, %select_n3A_690 masked %broadcast_in_dim3A_692 : vector<16xi32>, vector<16xi1> -> vector<16xi32>
        %sub3A_694 = arith.subi %masked_cumsum3A_693, %select_n3A_690 : vector<16xi32>
        %all_reduce_population_count3A_695 = tpu.all_reduce %ge3A_685 {dim = 0 : i64, kind = #tpu.reduction_kind<sum>} : vector<16xi1> -> vector<16xi32>
        %add3A_696 = arith.addi %add3A_647, %sub3A_662 : vector<16xi32>
        %min3A_697 = arith.constant 2047 : i32
        %min3A_698 = vector.broadcast %min3A_697 : i32 to vector<16xi32>
        %min3A_699 = arith.minsi %add3A_696, %min3A_698 : vector<16xi32>
        tpu.vector_store_idx %arg6[%min3A_699], %get3A_651 masked %ge3A_653 : memref<2048xf32, #tpu.memory_space<vmem>>[vector<16xi32>], vector<16xf32>, vector<16xi1>
        %add3A_700 = arith.addi %add3A_647, %all_reduce_population_count3A_663 : vector<16xi32>
        %add3A_701 = arith.addi %add3A_700, %sub3A_678 : vector<16xi32>
        %min3A_702 = arith.constant 2047 : i32
        %min3A_703 = vector.broadcast %min3A_702 : i32 to vector<16xi32>
        %min3A_704 = arith.minsi %add3A_701, %min3A_703 : vector<16xi32>
        tpu.vector_store_idx %arg6[%min3A_704], %get3A_667 masked %ge3A_669 : memref<2048xf32, #tpu.memory_space<vmem>>[vector<16xi32>], vector<16xf32>, vector<16xi1>
        %add3A_705 = arith.addi %add3A_700, %all_reduce_population_count3A_679 : vector<16xi32>
        %add3A_706 = arith.addi %add3A_705, %sub3A_694 : vector<16xi32>
        %min3A_707 = arith.constant 2047 : i32
        %min3A_708 = vector.broadcast %min3A_707 : i32 to vector<16xi32>
        %min3A_709 = arith.minsi %add3A_706, %min3A_708 : vector<16xi32>
        tpu.vector_store_idx %arg6[%min3A_709], %get3A_683 masked %ge3A_685 : memref<2048xf32, #tpu.memory_space<vmem>>[vector<16xi32>], vector<16xf32>, vector<16xi1>
        %add3A_710 = arith.addi %add3A_705, %all_reduce_population_count3A_695 : vector<16xi32>
        %add3A_711 = arith.constant 192 : i32
        %add3A_712 = arith.addi %mul3A_460, %add3A_711 : i32
        %get3A_713 = arith.index_cast %add3A_712 : i32 to index
        %get3A_714 = tpu.vector_load %arg5[%get3A_713] {strides = array<i32>} : memref<100000xf32, #tpu.memory_space<vmem>>, vector<16xf32>,
        %ge3A_715 = vector.broadcast %scan3A_62#16 : f32 to vector<16xf32>
        %ge3A_716 = arith.cmpf oge, %get3A_714, %ge3A_715 : vector<16xf32>
        %jit3A_717 = arith.constant 1 : i32
        %jit3A_718 = arith.constant 0 : i32
        %broadcast_in_dim3A_719 = vector.broadcast %jit3A_717 : i32 to vector<16xi32>
        %broadcast_in_dim3A_720 = vector.broadcast %jit3A_718 : i32 to vector<16xi32>
        %select_n3A_721 = arith.select %ge3A_716, %broadcast_in_dim3A_719, %broadcast_in_dim3A_720 : vector<16xi1>, vector<16xi32>
        %broadcast_in_dim3A_722 = arith.constant true
        %broadcast_in_dim3A_723 = vector.broadcast %broadcast_in_dim3A_722 : i1 to vector<16xi1>
        %masked_cumsum3A_724 = tpu.scan <sum>, %select_n3A_721 masked %broadcast_in_dim3A_723 : vector<16xi32>, vector<16xi1> -> vector<16xi32>
        %sub3A_725 = arith.subi %masked_cumsum3A_724, %select_n3A_721 : vector<16xi32>
        %all_reduce_population_count3A_726 = tpu.all_reduce %ge3A_716 {dim = 0 : i64, kind = #tpu.reduction_kind<sum>} : vector<16xi1> -> vector<16xi32>
        %add3A_727 = arith.constant 208 : i32
        %add3A_728 = arith.addi %mul3A_460, %add3A_727 : i32
        %get3A_729 = arith.index_cast %add3A_728 : i32 to index
        %get3A_730 = tpu.vector_load %arg5[%get3A_729] {strides = array<i32>} : memref<100000xf32, #tpu.memory_space<vmem>>, vector<16xf32>,
        %ge3A_731 = vector.broadcast %scan3A_62#16 : f32 to vector<16xf32>
        %ge3A_732 = arith.cmpf oge, %get3A_730, %ge3A_731 : vector<16xf32>
        %jit3A_733 = arith.constant 1 : i32
        %jit3A_734 = arith.constant 0 : i32
        %broadcast_in_dim3A_735 = vector.broadcast %jit3A_733 : i32 to vector<16xi32>
        %broadcast_in_dim3A_736 = vector.broadcast %jit3A_734 : i32 to vector<16xi32>
        %select_n3A_737 = arith.select %ge3A_732, %broadcast_in_dim3A_735, %broadcast_in_dim3A_736 : vector<16xi1>, vector<16xi32>
        %broadcast_in_dim3A_738 = arith.constant true
        %broadcast_in_dim3A_739 = vector.broadcast %broadcast_in_dim3A_738 : i1 to vector<16xi1>
        %masked_cumsum3A_740 = tpu.scan <sum>, %select_n3A_737 masked %broadcast_in_dim3A_739 : vector<16xi32>, vector<16xi1> -> vector<16xi32>
        %sub3A_741 = arith.subi %masked_cumsum3A_740, %select_n3A_737 : vector<16xi32>
        %all_reduce_population_count3A_742 = tpu.all_reduce %ge3A_732 {dim = 0 : i64, kind = #tpu.reduction_kind<sum>} : vector<16xi1> -> vector<16xi32>
        %add3A_743 = arith.constant 224 : i32
        %add3A_744 = arith.addi %mul3A_460, %add3A_743 : i32
        %get3A_745 = arith.index_cast %add3A_744 : i32 to index
        %get3A_746 = tpu.vector_load %arg5[%get3A_745] {strides = array<i32>} : memref<100000xf32, #tpu.memory_space<vmem>>, vector<16xf32>,
        %ge3A_747 = vector.broadcast %scan3A_62#16 : f32 to vector<16xf32>
        %ge3A_748 = arith.cmpf oge, %get3A_746, %ge3A_747 : vector<16xf32>
        %jit3A_749 = arith.constant 1 : i32
        %jit3A_750 = arith.constant 0 : i32
        %broadcast_in_dim3A_751 = vector.broadcast %jit3A_749 : i32 to vector<16xi32>
        %broadcast_in_dim3A_752 = vector.broadcast %jit3A_750 : i32 to vector<16xi32>
        %select_n3A_753 = arith.select %ge3A_748, %broadcast_in_dim3A_751, %broadcast_in_dim3A_752 : vector<16xi1>, vector<16xi32>
        %broadcast_in_dim3A_754 = arith.constant true
        %broadcast_in_dim3A_755 = vector.broadcast %broadcast_in_dim3A_754 : i1 to vector<16xi1>
        %masked_cumsum3A_756 = tpu.scan <sum>, %select_n3A_753 masked %broadcast_in_dim3A_755 : vector<16xi32>, vector<16xi1> -> vector<16xi32>
        %sub3A_757 = arith.subi %masked_cumsum3A_756, %select_n3A_753 : vector<16xi32>
        %all_reduce_population_count3A_758 = tpu.all_reduce %ge3A_748 {dim = 0 : i64, kind = #tpu.reduction_kind<sum>} : vector<16xi1> -> vector<16xi32>
        %add3A_759 = arith.addi %add3A_710, %sub3A_725 : vector<16xi32>
        %min3A_760 = arith.constant 2047 : i32
        %min3A_761 = vector.broadcast %min3A_760 : i32 to vector<16xi32>
        %min3A_762 = arith.minsi %add3A_759, %min3A_761 : vector<16xi32>
        tpu.vector_store_idx %arg6[%min3A_762], %get3A_714 masked %ge3A_716 : memref<2048xf32, #tpu.memory_space<vmem>>[vector<16xi32>], vector<16xf32>, vector<16xi1>
        %add3A_763 = arith.addi %add3A_710, %all_reduce_population_count3A_726 : vector<16xi32>
        %add3A_764 = arith.addi %add3A_763, %sub3A_741 : vector<16xi32>
        %min3A_765 = arith.constant 2047 : i32
        %min3A_766 = vector.broadcast %min3A_765 : i32 to vector<16xi32>
        %min3A_767 = arith.minsi %add3A_764, %min3A_766 : vector<16xi32>
        tpu.vector_store_idx %arg6[%min3A_767], %get3A_730 masked %ge3A_732 : memref<2048xf32, #tpu.memory_space<vmem>>[vector<16xi32>], vector<16xf32>, vector<16xi1>
        %add3A_768 = arith.addi %add3A_763, %all_reduce_population_count3A_742 : vector<16xi32>
        %add3A_769 = arith.addi %add3A_768, %sub3A_757 : vector<16xi32>
        %min3A_770 = arith.constant 2047 : i32
        %min3A_771 = vector.broadcast %min3A_770 : i32 to vector<16xi32>
        %min3A_772 = arith.minsi %add3A_769, %min3A_771 : vector<16xi32>
        tpu.vector_store_idx %arg6[%min3A_772], %get3A_746 masked %ge3A_748 : memref<2048xf32, #tpu.memory_space<vmem>>[vector<16xi32>], vector<16xf32>, vector<16xi1>
        %add3A_773 = arith.addi %add3A_768, %all_reduce_population_count3A_758 : vector<16xi32>
        %add3A_774 = arith.constant 240 : i32
        %add3A_775 = arith.addi %mul3A_460, %add3A_774 : i32
        %get3A_776 = arith.index_cast %add3A_775 : i32 to index
        %get3A_777 = tpu.vector_load %arg5[%get3A_776] {strides = array<i32>} : memref<100000xf32, #tpu.memory_space<vmem>>, vector<16xf32>,
        %ge3A_778 = vector.broadcast %scan3A_62#16 : f32 to vector<16xf32>
        %ge3A_779 = arith.cmpf oge, %get3A_777, %ge3A_778 : vector<16xf32>
        %jit3A_780 = arith.constant 1 : i32
        %jit3A_781 = arith.constant 0 : i32
        %broadcast_in_dim3A_782 = vector.broadcast %jit3A_780 : i32 to vector<16xi32>
        %broadcast_in_dim3A_783 = vector.broadcast %jit3A_781 : i32 to vector<16xi32>
        %select_n3A_784 = arith.select %ge3A_779, %broadcast_in_dim3A_782, %broadcast_in_dim3A_783 : vector<16xi1>, vector<16xi32>
        %broadcast_in_dim3A_785 = arith.constant true
        %broadcast_in_dim3A_786 = vector.broadcast %broadcast_in_dim3A_785 : i1 to vector<16xi1>
        %masked_cumsum3A_787 = tpu.scan <sum>, %select_n3A_784 masked %broadcast_in_dim3A_786 : vector<16xi32>, vector<16xi1> -> vector<16xi32>
        %sub3A_788 = arith.subi %masked_cumsum3A_787, %select_n3A_784 : vector<16xi32>
        %all_reduce_population_count3A_789 = tpu.all_reduce %ge3A_779 {dim = 0 : i64, kind = #tpu.reduction_kind<sum>} : vector<16xi1> -> vector<16xi32>
        %add3A_790 = arith.constant 256 : i32
        %add3A_791 = arith.addi %mul3A_460, %add3A_790 : i32
        %get3A_792 = arith.index_cast %add3A_791 : i32 to index
        %get3A_793 = tpu.vector_load %arg5[%get3A_792] {strides = array<i32>} : memref<100000xf32, #tpu.memory_space<vmem>>, vector<16xf32>,
        %ge3A_794 = vector.broadcast %scan3A_62#16 : f32 to vector<16xf32>
        %ge3A_795 = arith.cmpf oge, %get3A_793, %ge3A_794 : vector<16xf32>
        %jit3A_796 = arith.constant 1 : i32
        %jit3A_797 = arith.constant 0 : i32
        %broadcast_in_dim3A_798 = vector.broadcast %jit3A_796 : i32 to vector<16xi32>
        %broadcast_in_dim3A_799 = vector.broadcast %jit3A_797 : i32 to vector<16xi32>
        %select_n3A_800 = arith.select %ge3A_795, %broadcast_in_dim3A_798, %broadcast_in_dim3A_799 : vector<16xi1>, vector<16xi32>
        %broadcast_in_dim3A_801 = arith.constant true
        %broadcast_in_dim3A_802 = vector.broadcast %broadcast_in_dim3A_801 : i1 to vector<16xi1>
        %masked_cumsum3A_803 = tpu.scan <sum>, %select_n3A_800 masked %broadcast_in_dim3A_802 : vector<16xi32>, vector<16xi1> -> vector<16xi32>
        %sub3A_804 = arith.subi %masked_cumsum3A_803, %select_n3A_800 : vector<16xi32>
        %all_reduce_population_count3A_805 = tpu.all_reduce %ge3A_795 {dim = 0 : i64, kind = #tpu.reduction_kind<sum>} : vector<16xi1> -> vector<16xi32>
        %add3A_806 = arith.constant 272 : i32
        %add3A_807 = arith.addi %mul3A_460, %add3A_806 : i32
        %get3A_808 = arith.index_cast %add3A_807 : i32 to index
        %get3A_809 = tpu.vector_load %arg5[%get3A_808] {strides = array<i32>} : memref<100000xf32, #tpu.memory_space<vmem>>, vector<16xf32>,
        %ge3A_810 = vector.broadcast %scan3A_62#16 : f32 to vector<16xf32>
        %ge3A_811 = arith.cmpf oge, %get3A_809, %ge3A_810 : vector<16xf32>
        %jit3A_812 = arith.constant 1 : i32
        %jit3A_813 = arith.constant 0 : i32
        %broadcast_in_dim3A_814 = vector.broadcast %jit3A_812 : i32 to vector<16xi32>
        %broadcast_in_dim3A_815 = vector.broadcast %jit3A_813 : i32 to vector<16xi32>
        %select_n3A_816 = arith.select %ge3A_811, %broadcast_in_dim3A_814, %broadcast_in_dim3A_815 : vector<16xi1>, vector<16xi32>
        %broadcast_in_dim3A_817 = arith.constant true
        %broadcast_in_dim3A_818 = vector.broadcast %broadcast_in_dim3A_817 : i1 to vector<16xi1>
        %masked_cumsum3A_819 = tpu.scan <sum>, %select_n3A_816 masked %broadcast_in_dim3A_818 : vector<16xi32>, vector<16xi1> -> vector<16xi32>
        %sub3A_820 = arith.subi %masked_cumsum3A_819, %select_n3A_816 : vector<16xi32>
        %all_reduce_population_count3A_821 = tpu.all_reduce %ge3A_811 {dim = 0 : i64, kind = #tpu.reduction_kind<sum>} : vector<16xi1> -> vector<16xi32>
        %add3A_822 = arith.addi %add3A_773, %sub3A_788 : vector<16xi32>
        %min3A_823 = arith.constant 2047 : i32
        %min3A_824 = vector.broadcast %min3A_823 : i32 to vector<16xi32>
        %min3A_825 = arith.minsi %add3A_822, %min3A_824 : vector<16xi32>
        tpu.vector_store_idx %arg6[%min3A_825], %get3A_777 masked %ge3A_779 : memref<2048xf32, #tpu.memory_space<vmem>>[vector<16xi32>], vector<16xf32>, vector<16xi1>
        %add3A_826 = arith.addi %add3A_773, %all_reduce_population_count3A_789 : vector<16xi32>
        %add3A_827 = arith.addi %add3A_826, %sub3A_804 : vector<16xi32>
        %min3A_828 = arith.constant 2047 : i32
        %min3A_829 = vector.broadcast %min3A_828 : i32 to vector<16xi32>
        %min3A_830 = arith.minsi %add3A_827, %min3A_829 : vector<16xi32>
        tpu.vector_store_idx %arg6[%min3A_830], %get3A_793 masked %ge3A_795 : memref<2048xf32, #tpu.memory_space<vmem>>[vector<16xi32>], vector<16xf32>, vector<16xi1>
        %add3A_831 = arith.addi %add3A_826, %all_reduce_population_count3A_805 : vector<16xi32>
        %add3A_832 = arith.addi %add3A_831, %sub3A_820 : vector<16xi32>
        %min3A_833 = arith.constant 2047 : i32
        %min3A_834 = vector.broadcast %min3A_833 : i32 to vector<16xi32>
        %min3A_835 = arith.minsi %add3A_832, %min3A_834 : vector<16xi32>
        tpu.vector_store_idx %arg6[%min3A_835], %get3A_809 masked %ge3A_811 : memref<2048xf32, #tpu.memory_space<vmem>>[vector<16xi32>], vector<16xf32>, vector<16xi1>
        %add3A_836 = arith.addi %add3A_831, %all_reduce_population_count3A_821 : vector<16xi32>
        %add3A_837 = arith.constant 288 : i32
        %add3A_838 = arith.addi %mul3A_460, %add3A_837 : i32
        %get3A_839 = arith.index_cast %add3A_838 : i32 to index
        %get3A_840 = tpu.vector_load %arg5[%get3A_839] {strides = array<i32>} : memref<100000xf32, #tpu.memory_space<vmem>>, vector<16xf32>,
        %ge3A_841 = vector.broadcast %scan3A_62#16 : f32 to vector<16xf32>
        %ge3A_842 = arith.cmpf oge, %get3A_840, %ge3A_841 : vector<16xf32>
        %jit3A_843 = arith.constant 1 : i32
        %jit3A_844 = arith.constant 0 : i32
        %broadcast_in_dim3A_845 = vector.broadcast %jit3A_843 : i32 to vector<16xi32>
        %broadcast_in_dim3A_846 = vector.broadcast %jit3A_844 : i32 to vector<16xi32>
        %select_n3A_847 = arith.select %ge3A_842, %broadcast_in_dim3A_845, %broadcast_in_dim3A_846 : vector<16xi1>, vector<16xi32>
        %broadcast_in_dim3A_848 = arith.constant true
        %broadcast_in_dim3A_849 = vector.broadcast %broadcast_in_dim3A_848 : i1 to vector<16xi1>
        %masked_cumsum3A_850 = tpu.scan <sum>, %select_n3A_847 masked %broadcast_in_dim3A_849 : vector<16xi32>, vector<16xi1> -> vector<16xi32>
        %sub3A_851 = arith.subi %masked_cumsum3A_850, %select_n3A_847 : vector<16xi32>
        %all_reduce_population_count3A_852 = tpu.all_reduce %ge3A_842 {dim = 0 : i64, kind = #tpu.reduction_kind<sum>} : vector<16xi1> -> vector<16xi32>
        %add3A_853 = arith.constant 304 : i32
        %add3A_854 = arith.addi %mul3A_460, %add3A_853 : i32
        %get3A_855 = arith.index_cast %add3A_854 : i32 to index
        %get3A_856 = tpu.vector_load %arg5[%get3A_855] {strides = array<i32>} : memref<100000xf32, #tpu.memory_space<vmem>>, vector<16xf32>,
        %ge3A_857 = vector.broadcast %scan3A_62#16 : f32 to vector<16xf32>
        %ge3A_858 = arith.cmpf oge, %get3A_856, %ge3A_857 : vector<16xf32>
        %jit3A_859 = arith.constant 1 : i32
        %jit3A_860 = arith.constant 0 : i32
        %broadcast_in_dim3A_861 = vector.broadcast %jit3A_859 : i32 to vector<16xi32>
        %broadcast_in_dim3A_862 = vector.broadcast %jit3A_860 : i32 to vector<16xi32>
        %select_n3A_863 = arith.select %ge3A_858, %broadcast_in_dim3A_861, %broadcast_in_dim3A_862 : vector<16xi1>, vector<16xi32>
        %broadcast_in_dim3A_864 = arith.constant true
        %broadcast_in_dim3A_865 = vector.broadcast %broadcast_in_dim3A_864 : i1 to vector<16xi1>
        %masked_cumsum3A_866 = tpu.scan <sum>, %select_n3A_863 masked %broadcast_in_dim3A_865 : vector<16xi32>, vector<16xi1> -> vector<16xi32>
        %sub3A_867 = arith.subi %masked_cumsum3A_866, %select_n3A_863 : vector<16xi32>
        %all_reduce_population_count3A_868 = tpu.all_reduce %ge3A_858 {dim = 0 : i64, kind = #tpu.reduction_kind<sum>} : vector<16xi1> -> vector<16xi32>
        %add3A_869 = arith.constant 320 : i32
        %add3A_870 = arith.addi %mul3A_460, %add3A_869 : i32
        %get3A_871 = arith.index_cast %add3A_870 : i32 to index
        %get3A_872 = tpu.vector_load %arg5[%get3A_871] {strides = array<i32>} : memref<100000xf32, #tpu.memory_space<vmem>>, vector<16xf32>,
        %ge3A_873 = vector.broadcast %scan3A_62#16 : f32 to vector<16xf32>
        %ge3A_874 = arith.cmpf oge, %get3A_872, %ge3A_873 : vector<16xf32>
        %jit3A_875 = arith.constant 1 : i32
        %jit3A_876 = arith.constant 0 : i32
        %broadcast_in_dim3A_877 = vector.broadcast %jit3A_875 : i32 to vector<16xi32>
        %broadcast_in_dim3A_878 = vector.broadcast %jit3A_876 : i32 to vector<16xi32>
        %select_n3A_879 = arith.select %ge3A_874, %broadcast_in_dim3A_877, %broadcast_in_dim3A_878 : vector<16xi1>, vector<16xi32>
        %broadcast_in_dim3A_880 = arith.constant true
        %broadcast_in_dim3A_881 = vector.broadcast %broadcast_in_dim3A_880 : i1 to vector<16xi1>
        %masked_cumsum3A_882 = tpu.scan <sum>, %select_n3A_879 masked %broadcast_in_dim3A_881 : vector<16xi32>, vector<16xi1> -> vector<16xi32>
        %sub3A_883 = arith.subi %masked_cumsum3A_882, %select_n3A_879 : vector<16xi32>
        %all_reduce_population_count3A_884 = tpu.all_reduce %ge3A_874 {dim = 0 : i64, kind = #tpu.reduction_kind<sum>} : vector<16xi1> -> vector<16xi32>
        %add3A_885 = arith.addi %add3A_836, %sub3A_851 : vector<16xi32>
        %min3A_886 = arith.constant 2047 : i32
        %min3A_887 = vector.broadcast %min3A_886 : i32 to vector<16xi32>
        %min3A_888 = arith.minsi %add3A_885, %min3A_887 : vector<16xi32>
        tpu.vector_store_idx %arg6[%min3A_888], %get3A_840 masked %ge3A_842 : memref<2048xf32, #tpu.memory_space<vmem>>[vector<16xi32>], vector<16xf32>, vector<16xi1>
        %add3A_889 = arith.addi %add3A_836, %all_reduce_population_count3A_852 : vector<16xi32>
        %add3A_890 = arith.addi %add3A_889, %sub3A_867 : vector<16xi32>
        %min3A_891 = arith.constant 2047 : i32
        %min3A_892 = vector.broadcast %min3A_891 : i32 to vector<16xi32>
        %min3A_893 = arith.minsi %add3A_890, %min3A_892 : vector<16xi32>
        tpu.vector_store_idx %arg6[%min3A_893], %get3A_856 masked %ge3A_858 : memref<2048xf32, #tpu.memory_space<vmem>>[vector<16xi32>], vector<16xf32>, vector<16xi1>
        %add3A_894 = arith.addi %add3A_889, %all_reduce_population_count3A_868 : vector<16xi32>
        %add3A_895 = arith.addi %add3A_894, %sub3A_883 : vector<16xi32>
        %min3A_896 = arith.constant 2047 : i32
        %min3A_897 = vector.broadcast %min3A_896 : i32 to vector<16xi32>
        %min3A_898 = arith.minsi %add3A_895, %min3A_897 : vector<16xi32>
        tpu.vector_store_idx %arg6[%min3A_898], %get3A_872 masked %ge3A_874 : memref<2048xf32, #tpu.memory_space<vmem>>[vector<16xi32>], vector<16xf32>, vector<16xi1>
        %add3A_899 = arith.addi %add3A_894, %all_reduce_population_count3A_884 : vector<16xi32>
        %add3A_900 = arith.constant 336 : i32
        %add3A_901 = arith.addi %mul3A_460, %add3A_900 : i32
        %get3A_902 = arith.index_cast %add3A_901 : i32 to index
        %get3A_903 = tpu.vector_load %arg5[%get3A_902] {strides = array<i32>} : memref<100000xf32, #tpu.memory_space<vmem>>, vector<16xf32>,
        %ge3A_904 = vector.broadcast %scan3A_62#16 : f32 to vector<16xf32>
        %ge3A_905 = arith.cmpf oge, %get3A_903, %ge3A_904 : vector<16xf32>
        %jit3A_906 = arith.constant 1 : i32
        %jit3A_907 = arith.constant 0 : i32
        %broadcast_in_dim3A_908 = vector.broadcast %jit3A_906 : i32 to vector<16xi32>
        %broadcast_in_dim3A_909 = vector.broadcast %jit3A_907 : i32 to vector<16xi32>
        %select_n3A_910 = arith.select %ge3A_905, %broadcast_in_dim3A_908, %broadcast_in_dim3A_909 : vector<16xi1>, vector<16xi32>
        %broadcast_in_dim3A_911 = arith.constant true
        %broadcast_in_dim3A_912 = vector.broadcast %broadcast_in_dim3A_911 : i1 to vector<16xi1>
        %masked_cumsum3A_913 = tpu.scan <sum>, %select_n3A_910 masked %broadcast_in_dim3A_912 : vector<16xi32>, vector<16xi1> -> vector<16xi32>
        %sub3A_914 = arith.subi %masked_cumsum3A_913, %select_n3A_910 : vector<16xi32>
        %all_reduce_population_count3A_915 = tpu.all_reduce %ge3A_905 {dim = 0 : i64, kind = #tpu.reduction_kind<sum>} : vector<16xi1> -> vector<16xi32>
        %add3A_916 = arith.constant 352 : i32
        %add3A_917 = arith.addi %mul3A_460, %add3A_916 : i32
        %get3A_918 = arith.index_cast %add3A_917 : i32 to index
        %get3A_919 = tpu.vector_load %arg5[%get3A_918] {strides = array<i32>} : memref<100000xf32, #tpu.memory_space<vmem>>, vector<16xf32>,
        %ge3A_920 = vector.broadcast %scan3A_62#16 : f32 to vector<16xf32>
        %ge3A_921 = arith.cmpf oge, %get3A_919, %ge3A_920 : vector<16xf32>
        %jit3A_922 = arith.constant 1 : i32
        %jit3A_923 = arith.constant 0 : i32
        %broadcast_in_dim3A_924 = vector.broadcast %jit3A_922 : i32 to vector<16xi32>
        %broadcast_in_dim3A_925 = vector.broadcast %jit3A_923 : i32 to vector<16xi32>
        %select_n3A_926 = arith.select %ge3A_921, %broadcast_in_dim3A_924, %broadcast_in_dim3A_925 : vector<16xi1>, vector<16xi32>
        %broadcast_in_dim3A_927 = arith.constant true
        %broadcast_in_dim3A_928 = vector.broadcast %broadcast_in_dim3A_927 : i1 to vector<16xi1>
        %masked_cumsum3A_929 = tpu.scan <sum>, %select_n3A_926 masked %broadcast_in_dim3A_928 : vector<16xi32>, vector<16xi1> -> vector<16xi32>
        %sub3A_930 = arith.subi %masked_cumsum3A_929, %select_n3A_926 : vector<16xi32>
        %all_reduce_population_count3A_931 = tpu.all_reduce %ge3A_921 {dim = 0 : i64, kind = #tpu.reduction_kind<sum>} : vector<16xi1> -> vector<16xi32>
        %add3A_932 = arith.constant 368 : i32
        %add3A_933 = arith.addi %mul3A_460, %add3A_932 : i32
        %get3A_934 = arith.index_cast %add3A_933 : i32 to index
        %get3A_935 = tpu.vector_load %arg5[%get3A_934] {strides = array<i32>} : memref<100000xf32, #tpu.memory_space<vmem>>, vector<16xf32>,
        %ge3A_936 = vector.broadcast %scan3A_62#16 : f32 to vector<16xf32>
        %ge3A_937 = arith.cmpf oge, %get3A_935, %ge3A_936 : vector<16xf32>
        %jit3A_938 = arith.constant 1 : i32
        %jit3A_939 = arith.constant 0 : i32
        %broadcast_in_dim3A_940 = vector.broadcast %jit3A_938 : i32 to vector<16xi32>
        %broadcast_in_dim3A_941 = vector.broadcast %jit3A_939 : i32 to vector<16xi32>
        %select_n3A_942 = arith.select %ge3A_937, %broadcast_in_dim3A_940, %broadcast_in_dim3A_941 : vector<16xi1>, vector<16xi32>
        %broadcast_in_dim3A_943 = arith.constant true
        %broadcast_in_dim3A_944 = vector.broadcast %broadcast_in_dim3A_943 : i1 to vector<16xi1>
        %masked_cumsum3A_945 = tpu.scan <sum>, %select_n3A_942 masked %broadcast_in_dim3A_944 : vector<16xi32>, vector<16xi1> -> vector<16xi32>
        %sub3A_946 = arith.subi %masked_cumsum3A_945, %select_n3A_942 : vector<16xi32>
        %all_reduce_population_count3A_947 = tpu.all_reduce %ge3A_937 {dim = 0 : i64, kind = #tpu.reduction_kind<sum>} : vector<16xi1> -> vector<16xi32>
        %add3A_948 = arith.addi %add3A_899, %sub3A_914 : vector<16xi32>
        %min3A_949 = arith.constant 2047 : i32
        %min3A_950 = vector.broadcast %min3A_949 : i32 to vector<16xi32>
        %min3A_951 = arith.minsi %add3A_948, %min3A_950 : vector<16xi32>
        tpu.vector_store_idx %arg6[%min3A_951], %get3A_903 masked %ge3A_905 : memref<2048xf32, #tpu.memory_space<vmem>>[vector<16xi32>], vector<16xf32>, vector<16xi1>
        %add3A_952 = arith.addi %add3A_899, %all_reduce_population_count3A_915 : vector<16xi32>
        %add3A_953 = arith.addi %add3A_952, %sub3A_930 : vector<16xi32>
        %min3A_954 = arith.constant 2047 : i32
        %min3A_955 = vector.broadcast %min3A_954 : i32 to vector<16xi32>
        %min3A_956 = arith.minsi %add3A_953, %min3A_955 : vector<16xi32>
        tpu.vector_store_idx %arg6[%min3A_956], %get3A_919 masked %ge3A_921 : memref<2048xf32, #tpu.memory_space<vmem>>[vector<16xi32>], vector<16xf32>, vector<16xi1>
        %add3A_957 = arith.addi %add3A_952, %all_reduce_population_count3A_931 : vector<16xi32>
        %add3A_958 = arith.addi %add3A_957, %sub3A_946 : vector<16xi32>
        %min3A_959 = arith.constant 2047 : i32
        %min3A_960 = vector.broadcast %min3A_959 : i32 to vector<16xi32>
        %min3A_961 = arith.minsi %add3A_958, %min3A_960 : vector<16xi32>
        tpu.vector_store_idx %arg6[%min3A_961], %get3A_935 masked %ge3A_937 : memref<2048xf32, #tpu.memory_space<vmem>>[vector<16xi32>], vector<16xf32>, vector<16xi1>
        %add3A_962 = arith.addi %add3A_957, %all_reduce_population_count3A_947 : vector<16xi32>
        %add3A_963 = arith.constant 384 : i32
        %add3A_964 = arith.addi %mul3A_460, %add3A_963 : i32
        %get3A_965 = arith.index_cast %add3A_964 : i32 to index
        %get3A_966 = tpu.vector_load %arg5[%get3A_965] {strides = array<i32>} : memref<100000xf32, #tpu.memory_space<vmem>>, vector<16xf32>,
        %ge3A_967 = vector.broadcast %scan3A_62#16 : f32 to vector<16xf32>
        %ge3A_968 = arith.cmpf oge, %get3A_966, %ge3A_967 : vector<16xf32>
        %jit3A_969 = arith.constant 1 : i32
        %jit3A_970 = arith.constant 0 : i32
        %broadcast_in_dim3A_971 = vector.broadcast %jit3A_969 : i32 to vector<16xi32>
        %broadcast_in_dim3A_972 = vector.broadcast %jit3A_970 : i32 to vector<16xi32>
        %select_n3A_973 = arith.select %ge3A_968, %broadcast_in_dim3A_971, %broadcast_in_dim3A_972 : vector<16xi1>, vector<16xi32>
        %broadcast_in_dim3A_974 = arith.constant true
        %broadcast_in_dim3A_975 = vector.broadcast %broadcast_in_dim3A_974 : i1 to vector<16xi1>
        %masked_cumsum3A_976 = tpu.scan <sum>, %select_n3A_973 masked %broadcast_in_dim3A_975 : vector<16xi32>, vector<16xi1> -> vector<16xi32>
        %sub3A_977 = arith.subi %masked_cumsum3A_976, %select_n3A_973 : vector<16xi32>
        %all_reduce_population_count3A_978 = tpu.all_reduce %ge3A_968 {dim = 0 : i64, kind = #tpu.reduction_kind<sum>} : vector<16xi1> -> vector<16xi32>
        %add3A_979 = arith.addi %add3A_962, %sub3A_977 : vector<16xi32>
        %min3A_980 = arith.constant 2047 : i32
        %min3A_981 = vector.broadcast %min3A_980 : i32 to vector<16xi32>
        %min3A_982 = arith.minsi %add3A_979, %min3A_981 : vector<16xi32>
        tpu.vector_store_idx %arg6[%min3A_982], %get3A_966 masked %ge3A_968 : memref<2048xf32, #tpu.memory_space<vmem>>[vector<16xi32>], vector<16xf32>, vector<16xi1>
        %add3A_983 = arith.addi %add3A_962, %all_reduce_population_count3A_978 : vector<16xi32>
        scf.yield %add3A_983 : vector<16xi32>
      }
      %scan3A_71 = arith.constant 50 : i32
      %reduce_max3A = arith.constant true
      %reduce_max3A_72 = vector.broadcast %reduce_max3A : i1 to vector<16xi1>
      %reduce_max3A_73 = arith.constant -2147483648 : i32
      %reduce_max3A_74 = vector.broadcast %reduce_max3A_73 : i32 to vector<16xi32>
      %reduce_max3A_75 = arith.xori %scan3A_70, %reduce_max3A_74 : vector<16xi32>
      %reduce_max3A_76 = tpu.scan <max>, %reduce_max3A_75 masked %reduce_max3A_72 : vector<16xi32>, vector<16xi1> -> vector<16xi32>
      %reduce_max3A_77 = arith.xori %reduce_max3A_76, %reduce_max3A_74 : vector<16xi32>
      %reduce_max3A_78 = vector.extract %reduce_max3A_77[15] : i32 from vector<16xi32>
      %min3A = arith.constant 2032 : i32
      %min3A_79 = arith.minsi %reduce_max3A_78, %min3A : i32
      %broadcast_in_dim3A_80 = arith.constant 0xFF800000 : f32
      %broadcast_in_dim3A_81 = vector.broadcast %broadcast_in_dim3A_80 : f32 to vector<16xf32>
      %swap3A_82 = arith.index_cast %min3A_79 : i32 to index
      %swap3A_83 = tpu.vector_load %arg6[%swap3A_82] {strides = array<i32>} : memref<2048xf32, #tpu.memory_space<vmem>>, vector<16xf32>,
      tpu.vector_store %arg6[%swap3A_82], %broadcast_in_dim3A_81 {strides = array<i32>} : memref<2048xf32, #tpu.memory_space<vmem>>, vector<16xf32>,
      %add3A_84 = arith.constant 15 : i32
      %add3A_85 = arith.addi %min3A_79, %add3A_84 : i32
      %jit3A = arith.constant 16 : i32
      %div3A = arith.divsi %add3A_85, %jit3A : i32
      %sign3A = arith.constant 0 : i32
      %sign3A_86 = arith.cmpi sgt, %add3A_85, %sign3A : i32
      %sign3A_87 = arith.extui %sign3A_86 : i1 to i32
      %sign3A_88 = arith.constant 0 : i32
      %sign3A_89 = arith.cmpi slt, %add3A_85, %sign3A_88 : i32
      %sign3A_90 = arith.extui %sign3A_89 : i1 to i32
      %sign3A_91 = arith.subi %sign3A_87, %sign3A_90 : i32
      %sign3A_92 = arith.constant 0 : i32
      %sign3A_93 = arith.cmpi sgt, %jit3A, %sign3A_92 : i32
      %sign3A_94 = arith.extui %sign3A_93 : i1 to i32
      %sign3A_95 = arith.constant 0 : i32
      %sign3A_96 = arith.cmpi slt, %jit3A, %sign3A_95 : i32
      %sign3A_97 = arith.extui %sign3A_96 : i1 to i32
      %sign3A_98 = arith.subi %sign3A_94, %sign3A_97 : i32
      %ne3A = arith.cmpi ne, %sign3A_91, %sign3A_98 : i32
      %rem3A = arith.remsi %add3A_85, %jit3A : i32
      %ne3A_99 = arith.constant 0 : i32
      %ne3A_100 = arith.cmpi ne, %rem3A, %ne3A_99 : i32
      %and3A = arith.andi %ne3A, %ne3A_100 : i1
      %sub3A = arith.constant 1 : i32
      %sub3A_101 = arith.subi %div3A, %sub3A : i32
      %select_n3A = arith.select %and3A, %sub3A_101, %div3A : i32
      %broadcast_in_dim3A_102 = arith.constant 0xFF800000 : f32
      %broadcast_in_dim3A_103 = vector.broadcast %broadcast_in_dim3A_102 : f32 to vector<16xf32>
      %swap3A_104 = arith.constant 48 : index
      %swap3A_105 = tpu.vector_load %arg9[%swap3A_104] {strides = array<i32>} : memref<64xf32, #tpu.memory_space<vmem>>, vector<16xf32>,
      tpu.vector_store %arg9[%swap3A_104], %broadcast_in_dim3A_103 {strides = array<i32>} : memref<64xf32, #tpu.memory_space<vmem>>, vector<16xf32>,
      %scan3A_106 = arith.constant 0 : i32
      %scan3A_107 = arith.constant 0 : i32
      %scan3A_108 = arith.constant 50 : i32
      %scan3A_109 = arith.addi %scan3A_107, %scan3A_108 : i32
      %scan3A_110 = arith.constant 1 : i32
      %scan3A_111 = scf.for %scan3A_415 = %scan3A_107 to %scan3A_109 step %scan3A_110 iter_args(%scan3A_416 = %scan3A_106) -> (i32)  : i32 {
        %broadcast_in_dim3A_417 = arith.constant 0xFF800000 : f32
        %broadcast_in_dim3A_418 = vector.broadcast %broadcast_in_dim3A_417 : f32 to vector<16xf32>
        %while3A = arith.constant 0 : i32
        %while3A_419 = arith.subi %select_n3A, %while3A : i32
        %while3A_420 = arith.addi %while3A, %while3A_419 : i32
        %while3A_421 = arith.constant 1 : i32
        %while3A_422 = arith.divsi %while3A_419, %while3A_421 : i32
        %while3A_423 = arith.muli %while3A_422, %while3A_421 : i32
        %while3A_424 = arith.addi %while3A, %while3A_423 : i32
        %while3A_425 = arith.constant 1 : i32
        %while3A_426 = scf.for %while3A_480 = %while3A to %while3A_424 step %while3A_425 iter_args(%while3A_481 = %broadcast_in_dim3A_418) -> (vector<16xf32>)  : i32 {
          %mul3A_482 = arith.constant 16 : i32
          %mul3A_483 = arith.muli %while3A_480, %mul3A_482 : i32
          %get3A_484 = arith.index_cast %mul3A_483 : i32 to index
          %get3A_485 = tpu.vector_load %arg6[%get3A_484] {strides = array<i32>} : memref<2048xf32, #tpu.memory_space<vmem>>, vector<16xf32>,
          %max3A_486 = arith.maximumf %while3A_481, %get3A_485 : vector<16xf32>
          scf.yield %max3A_486 : vector<16xf32>
        }
        %while3A_427 = arith.constant 1 : i32
        %while3A_428 = scf.for %while3A_480 = %while3A_424 to %while3A_420 step %while3A_427 iter_args(%while3A_481 = %while3A_426) -> (vector<16xf32>)  : i32 {
          %mul3A_482 = arith.constant 16 : i32
          %mul3A_483 = arith.muli %while3A_480, %mul3A_482 : i32
          %get3A_484 = arith.index_cast %mul3A_483 : i32 to index
          %get3A_485 = tpu.vector_load %arg6[%get3A_484] {strides = array<i32>} : memref<2048xf32, #tpu.memory_space<vmem>>, vector<16xf32>,
          %max3A_486 = arith.maximumf %while3A_481, %get3A_485 : vector<16xf32>
          scf.yield %max3A_486 : vector<16xf32>
        }
        %reduce_max3A_429 = arith.constant true
        %reduce_max3A_430 = vector.broadcast %reduce_max3A_429 : i1 to vector<16xi1>
        %reduce_max3A_431 = tpu.scan <max>, %while3A_428 masked %reduce_max3A_430 : vector<16xf32>, vector<16xi1> -> vector<16xf32>
        %reduce_max3A_432 = vector.extract %reduce_max3A_431[15] : f32 from vector<16xf32>
        %jit3A_433 = arith.constant 16 : i32
        %div3A_434 = arith.divsi %scan3A_415, %jit3A_433 : i32
        %sign3A_435 = arith.constant 0 : i32
        %sign3A_436 = arith.cmpi sgt, %scan3A_415, %sign3A_435 : i32
        %sign3A_437 = arith.extui %sign3A_436 : i1 to i32
        %sign3A_438 = arith.constant 0 : i32
        %sign3A_439 = arith.cmpi slt, %scan3A_415, %sign3A_438 : i32
        %sign3A_440 = arith.extui %sign3A_439 : i1 to i32
        %sign3A_441 = arith.subi %sign3A_437, %sign3A_440 : i32
        %sign3A_442 = arith.constant 0 : i32
        %sign3A_443 = arith.cmpi sgt, %jit3A_433, %sign3A_442 : i32
        %sign3A_444 = arith.extui %sign3A_443 : i1 to i32
        %sign3A_445 = arith.constant 0 : i32
        %sign3A_446 = arith.cmpi slt, %jit3A_433, %sign3A_445 : i32
        %sign3A_447 = arith.extui %sign3A_446 : i1 to i32
        %sign3A_448 = arith.subi %sign3A_444, %sign3A_447 : i32
        %ne3A_449 = arith.cmpi ne, %sign3A_441, %sign3A_448 : i32
        %rem3A_450 = arith.remsi %scan3A_415, %jit3A_433 : i32
        %ne3A_451 = arith.constant 0 : i32
        %ne3A_452 = arith.cmpi ne, %rem3A_450, %ne3A_451 : i32
        %and3A_453 = arith.andi %ne3A_449, %ne3A_452 : i1
        %sub3A_454 = arith.constant 1 : i32
        %sub3A_455 = arith.subi %div3A_434, %sub3A_454 : i32
        %select_n3A_456 = arith.select %and3A_453, %sub3A_455, %div3A_434 : i32
        %mul3A_457 = arith.constant 16 : i32
        %mul3A_458 = arith.muli %select_n3A_456, %mul3A_457 : i32
        %get3A_459 = arith.index_cast %mul3A_458 : i32 to index
        %get3A_460 = tpu.vector_load %arg9[%get3A_459] {strides = array<i32>} : memref<64xf32, #tpu.memory_space<vmem>>, vector<16xf32>,
        %sub3A_461 = arith.subi %scan3A_415, %mul3A_458 : i32
        %eq3A_462 = vector.broadcast %sub3A_461 : i32 to vector<16xi32>
        %eq3A_463 = arith.cmpi eq, %iota3A, %eq3A_462 : vector<16xi32>
        %broadcast_in_dim3A_464 = vector.broadcast %reduce_max3A_432 : f32 to vector<16xf32>
        %select_n3A_465 = arith.select %eq3A_463, %broadcast_in_dim3A_464, %get3A_460 : vector<16xi1>, vector<16xf32>
        %swap3A_466 = arith.index_cast %mul3A_458 : i32 to index
        %swap3A_467 = tpu.vector_load %arg9[%swap3A_466] {strides = array<i32>} : memref<64xf32, #tpu.memory_space<vmem>>, vector<16xf32>,
        tpu.vector_store %arg9[%swap3A_466], %select_n3A_465 {strides = array<i32>} : memref<64xf32, #tpu.memory_space<vmem>>, vector<16xf32>,
        %while3A_468 = arith.constant 0 : i32
        %while3A_469 = arith.subi %select_n3A, %while3A_468 : i32
        %while3A_470 = arith.addi %while3A_468, %while3A_469 : i32
        %while3A_471 = arith.constant 1 : i32
        %while3A_472 = arith.divsi %while3A_469, %while3A_471 : i32
        %while3A_473 = arith.muli %while3A_472, %while3A_471 : i32
        %while3A_474 = arith.addi %while3A_468, %while3A_473 : i32
        %while3A_475 = arith.constant 1 : i32
        %while3A_476 = scf.for %while3A_480 = %while3A_468 to %while3A_474 step %while3A_475 iter_args(%while3A_481 = %lt3A_2) -> (vector<16xi1>)  : i32 {
          %mul3A_482 = arith.constant 16 : i32
          %mul3A_483 = arith.muli %while3A_480, %mul3A_482 : i32
          %get3A_484 = arith.index_cast %mul3A_483 : i32 to index
          %get3A_485 = tpu.vector_load %arg6[%get3A_484] {strides = array<i32>} : memref<2048xf32, #tpu.memory_space<vmem>>, vector<16xf32>,
          %eq3A_486 = vector.broadcast %reduce_max3A_432 : f32 to vector<16xf32>
          %eq3A_487 = arith.cmpf oeq, %get3A_485, %eq3A_486 : vector<16xf32>
          %all_reduce_ffs3A_488 = tpu.all_reduce %eq3A_487 {dim = 0 : i64, kind = #tpu.reduction_kind<find_first_set>} : vector<16xi1> -> vector<16xi32>
          %lt3A_489 = arith.constant 16 : i32
          %lt3A_490 = vector.broadcast %lt3A_489 : i32 to vector<16xi32>
          %lt3A_491 = arith.cmpi slt, %all_reduce_ffs3A_488, %lt3A_490 : vector<16xi32>
          %not3A = arith.constant dense<true> : vector<16xi1>
          %not3A_492 = arith.xori %while3A_481, %not3A : vector<16xi1>
          %and3A_493 = arith.andi %not3A_492, %lt3A_491 : vector<16xi1>
          %eq3A_494 = arith.cmpi eq, %iota3A, %all_reduce_ffs3A_488 : vector<16xi32>
          %and3A_495 = arith.andi %and3A_493, %eq3A_494 : vector<16xi1>
          %jit3A_496 = arith.constant 0xFF800000 : f32
          %broadcast_in_dim3A_497 = vector.broadcast %jit3A_496 : f32 to vector<16xf32>
          %select_n3A_498 = arith.select %and3A_495, %broadcast_in_dim3A_497, %get3A_485 : vector<16xi1>, vector<16xf32>
          %mul3A_499 = arith.constant 16 : i32
          %mul3A_500 = arith.muli %while3A_480, %mul3A_499 : i32
          %swap3A_501 = arith.index_cast %mul3A_500 : i32 to index
          %swap3A_502 = tpu.vector_load %arg6[%swap3A_501] {strides = array<i32>} : memref<2048xf32, #tpu.memory_space<vmem>>, vector<16xf32>,
          tpu.vector_store %arg6[%swap3A_501], %select_n3A_498 {strides = array<i32>} : memref<2048xf32, #tpu.memory_space<vmem>>, vector<16xf32>,
          %or3A_503 = arith.ori %while3A_481, %lt3A_491 : vector<16xi1>
          scf.yield %or3A_503 : vector<16xi1>
        }
        %while3A_477 = arith.constant 1 : i32
        %while3A_478 = scf.for %while3A_480 = %while3A_474 to %while3A_470 step %while3A_477 iter_args(%while3A_481 = %while3A_476) -> (vector<16xi1>)  : i32 {
          %mul3A_482 = arith.constant 16 : i32
          %mul3A_483 = arith.muli %while3A_480, %mul3A_482 : i32
          %get3A_484 = arith.index_cast %mul3A_483 : i32 to index
          %get3A_485 = tpu.vector_load %arg6[%get3A_484] {strides = array<i32>} : memref<2048xf32, #tpu.memory_space<vmem>>, vector<16xf32>,
          %eq3A_486 = vector.broadcast %reduce_max3A_432 : f32 to vector<16xf32>
          %eq3A_487 = arith.cmpf oeq, %get3A_485, %eq3A_486 : vector<16xf32>
          %all_reduce_ffs3A_488 = tpu.all_reduce %eq3A_487 {dim = 0 : i64, kind = #tpu.reduction_kind<find_first_set>} : vector<16xi1> -> vector<16xi32>
          %lt3A_489 = arith.constant 16 : i32
          %lt3A_490 = vector.broadcast %lt3A_489 : i32 to vector<16xi32>
          %lt3A_491 = arith.cmpi slt, %all_reduce_ffs3A_488, %lt3A_490 : vector<16xi32>
          %not3A = arith.constant dense<true> : vector<16xi1>
          %not3A_492 = arith.xori %while3A_481, %not3A : vector<16xi1>
          %and3A_493 = arith.andi %not3A_492, %lt3A_491 : vector<16xi1>
          %eq3A_494 = arith.cmpi eq, %iota3A, %all_reduce_ffs3A_488 : vector<16xi32>
          %and3A_495 = arith.andi %and3A_493, %eq3A_494 : vector<16xi1>
          %jit3A_496 = arith.constant 0xFF800000 : f32
          %broadcast_in_dim3A_497 = vector.broadcast %jit3A_496 : f32 to vector<16xf32>
          %select_n3A_498 = arith.select %and3A_495, %broadcast_in_dim3A_497, %get3A_485 : vector<16xi1>, vector<16xf32>
          %mul3A_499 = arith.constant 16 : i32
          %mul3A_500 = arith.muli %while3A_480, %mul3A_499 : i32
          %swap3A_501 = arith.index_cast %mul3A_500 : i32 to index
          %swap3A_502 = tpu.vector_load %arg6[%swap3A_501] {strides = array<i32>} : memref<2048xf32, #tpu.memory_space<vmem>>, vector<16xf32>,
          tpu.vector_store %arg6[%swap3A_501], %select_n3A_498 {strides = array<i32>} : memref<2048xf32, #tpu.memory_space<vmem>>, vector<16xf32>,
          %or3A_503 = arith.ori %while3A_481, %lt3A_491 : vector<16xi1>
          scf.yield %or3A_503 : vector<16xi1>
        }
        %scan3A_479 = arith.constant 0 : i32
        scf.yield %scan3A_479 : i32
      }
      %scan3A_112 = arith.constant 50 : i32
      %get3A_113 = arith.constant 0 : index
      %get3A_114 = tpu.vector_load %arg9[%get3A_113] {strides = array<i32>} : memref<64xf32, #tpu.memory_space<vmem>>, vector<16xf32>,
      %div3A_115 = arith.constant 0.699999988 : f32
      %div3A_116 = vector.broadcast %div3A_115 : f32 to vector<16xf32>
      %div3A_117 = arith.divf %get3A_114, %div3A_116 : vector<16xf32>
      %slice3A = vector.extract_strided_slice %div3A_117 {offsets = [0], sizes = [1], strides = [1]} : vector<16xf32> to vector<1xf32>
      %squeeze3A = vector.extract %slice3A[0] : f32 from vector<1xf32>
      %sub3A_118 = vector.broadcast %squeeze3A : f32 to vector<16xf32>
      %sub3A_119 = arith.subf %div3A_117, %sub3A_118 : vector<16xf32>
      %exp3A = math.exp %sub3A_119 : vector<16xf32>
      %get3A_120 = arith.constant 16 : index
      %get3A_121 = tpu.vector_load %arg9[%get3A_120] {strides = array<i32>} : memref<64xf32, #tpu.memory_space<vmem>>, vector<16xf32>,
      %div3A_122 = arith.constant 0.699999988 : f32
      %div3A_123 = vector.broadcast %div3A_122 : f32 to vector<16xf32>
      %div3A_124 = arith.divf %get3A_121, %div3A_123 : vector<16xf32>
      %sub3A_125 = vector.broadcast %squeeze3A : f32 to vector<16xf32>
      %sub3A_126 = arith.subf %div3A_124, %sub3A_125 : vector<16xf32>
      %exp3A_127 = math.exp %sub3A_126 : vector<16xf32>
      %get3A_128 = arith.constant 32 : index
      %get3A_129 = tpu.vector_load %arg9[%get3A_128] {strides = array<i32>} : memref<64xf32, #tpu.memory_space<vmem>>, vector<16xf32>,
      %div3A_130 = arith.constant 0.699999988 : f32
      %div3A_131 = vector.broadcast %div3A_130 : f32 to vector<16xf32>
      %div3A_132 = arith.divf %get3A_129, %div3A_131 : vector<16xf32>
      %sub3A_133 = vector.broadcast %squeeze3A : f32 to vector<16xf32>
      %sub3A_134 = arith.subf %div3A_132, %sub3A_133 : vector<16xf32>
      %exp3A_135 = math.exp %sub3A_134 : vector<16xf32>
      %get3A_136 = arith.constant 48 : index
      %get3A_137 = tpu.vector_load %arg9[%get3A_136] {strides = array<i32>} : memref<64xf32, #tpu.memory_space<vmem>>, vector<16xf32>,
      %div3A_138 = arith.constant 0.699999988 : f32
      %div3A_139 = vector.broadcast %div3A_138 : f32 to vector<16xf32>
      %div3A_140 = arith.divf %get3A_137, %div3A_139 : vector<16xf32>
      %sub3A_141 = vector.broadcast %squeeze3A : f32 to vector<16xf32>
      %sub3A_142 = arith.subf %div3A_140, %sub3A_141 : vector<16xf32>
      %exp3A_143 = math.exp %sub3A_142 : vector<16xf32>
      %add3A_144 = arith.addf %exp3A, %exp3A_127 : vector<16xf32>
      %add3A_145 = arith.addf %add3A_144, %exp3A_135 : vector<16xf32>
      %add3A_146 = arith.addf %add3A_145, %exp3A_143 : vector<16xf32>
      %reduce_sum3A = arith.constant true
      %reduce_sum3A_147 = vector.broadcast %reduce_sum3A : i1 to vector<16xi1>
      %reduce_sum3A_148 = tpu.scan <sum>, %add3A_146 masked %reduce_sum3A_147 : vector<16xf32>, vector<16xi1> -> vector<16xf32>
      %reduce_sum3A_149 = vector.extract %reduce_sum3A_148[15] : f32 from vector<16xf32>
      %div3A_150 = vector.broadcast %reduce_sum3A_149 : f32 to vector<16xf32>
      %div3A_151 = arith.divf %exp3A, %div3A_150 : vector<16xf32>
      %broadcast_in_dim3A_152 = arith.constant true
      %broadcast_in_dim3A_153 = vector.broadcast %broadcast_in_dim3A_152 : i1 to vector<16xi1>
      %masked_cumsum3A = tpu.scan <sum>, %div3A_151 masked %broadcast_in_dim3A_153 : vector<16xf32>, vector<16xi1> -> vector<16xf32>
      %add3A_154 = arith.constant 0.000000e+00 : f32
      %add3A_155 = vector.broadcast %add3A_154 : f32 to vector<16xf32>
      %add3A_156 = arith.addf %masked_cumsum3A, %add3A_155 : vector<16xf32>
      %swap3A_157 = arith.constant 1 : index
      %swap3A_158 = tpu.vector_load %arg11[%swap3A_157] {strides = array<i32>} : memref<80xf32, #tpu.memory_space<vmem>>, vector<16xf32>,
      tpu.vector_store %arg11[%swap3A_157], %add3A_156 {strides = array<i32>} : memref<80xf32, #tpu.memory_space<vmem>>, vector<16xf32>,
      %reduce_max3A_159 = arith.constant true
      %reduce_max3A_160 = vector.broadcast %reduce_max3A_159 : i1 to vector<16xi1>
      %reduce_max3A_161 = tpu.scan <max>, %add3A_156 masked %reduce_max3A_160 : vector<16xf32>, vector<16xi1> -> vector<16xf32>
      %reduce_max3A_162 = vector.extract %reduce_max3A_161[15] : f32 from vector<16xf32>
      %div3A_163 = vector.broadcast %reduce_sum3A_149 : f32 to vector<16xf32>
      %div3A_164 = arith.divf %exp3A_127, %div3A_163 : vector<16xf32>
      %broadcast_in_dim3A_165 = arith.constant true
      %broadcast_in_dim3A_166 = vector.broadcast %broadcast_in_dim3A_165 : i1 to vector<16xi1>
      %masked_cumsum3A_167 = tpu.scan <sum>, %div3A_164 masked %broadcast_in_dim3A_166 : vector<16xf32>, vector<16xi1> -> vector<16xf32>
      %add3A_168 = vector.broadcast %reduce_max3A_162 : f32 to vector<16xf32>
      %add3A_169 = arith.addf %masked_cumsum3A_167, %add3A_168 : vector<16xf32>
      %swap3A_170 = arith.constant 17 : index
      %swap3A_171 = tpu.vector_load %arg11[%swap3A_170] {strides = array<i32>} : memref<80xf32, #tpu.memory_space<vmem>>, vector<16xf32>,
      tpu.vector_store %arg11[%swap3A_170], %add3A_169 {strides = array<i32>} : memref<80xf32, #tpu.memory_space<vmem>>, vector<16xf32>,
      %reduce_max3A_172 = arith.constant true
      %reduce_max3A_173 = vector.broadcast %reduce_max3A_172 : i1 to vector<16xi1>
      %reduce_max3A_174 = tpu.scan <max>, %add3A_169 masked %reduce_max3A_173 : vector<16xf32>, vector<16xi1> -> vector<16xf32>
      %reduce_max3A_175 = vector.extract %reduce_max3A_174[15] : f32 from vector<16xf32>
      %div3A_176 = vector.broadcast %reduce_sum3A_149 : f32 to vector<16xf32>
      %div3A_177 = arith.divf %exp3A_135, %div3A_176 : vector<16xf32>
      %broadcast_in_dim3A_178 = arith.constant true
      %broadcast_in_dim3A_179 = vector.broadcast %broadcast_in_dim3A_178 : i1 to vector<16xi1>
      %masked_cumsum3A_180 = tpu.scan <sum>, %div3A_177 masked %broadcast_in_dim3A_179 : vector<16xf32>, vector<16xi1> -> vector<16xf32>
      %add3A_181 = vector.broadcast %reduce_max3A_175 : f32 to vector<16xf32>
      %add3A_182 = arith.addf %masked_cumsum3A_180, %add3A_181 : vector<16xf32>
      %swap3A_183 = arith.constant 33 : index
      %swap3A_184 = tpu.vector_load %arg11[%swap3A_183] {strides = array<i32>} : memref<80xf32, #tpu.memory_space<vmem>>, vector<16xf32>,
      tpu.vector_store %arg11[%swap3A_183], %add3A_182 {strides = array<i32>} : memref<80xf32, #tpu.memory_space<vmem>>, vector<16xf32>,
      %reduce_max3A_185 = arith.constant true
      %reduce_max3A_186 = vector.broadcast %reduce_max3A_185 : i1 to vector<16xi1>
      %reduce_max3A_187 = tpu.scan <max>, %add3A_182 masked %reduce_max3A_186 : vector<16xf32>, vector<16xi1> -> vector<16xf32>
      %reduce_max3A_188 = vector.extract %reduce_max3A_187[15] : f32 from vector<16xf32>
      %div3A_189 = vector.broadcast %reduce_sum3A_149 : f32 to vector<16xf32>
      %div3A_190 = arith.divf %exp3A_143, %div3A_189 : vector<16xf32>
      %broadcast_in_dim3A_191 = arith.constant true
      %broadcast_in_dim3A_192 = vector.broadcast %broadcast_in_dim3A_191 : i1 to vector<16xi1>
      %masked_cumsum3A_193 = tpu.scan <sum>, %div3A_190 masked %broadcast_in_dim3A_192 : vector<16xf32>, vector<16xi1> -> vector<16xf32>
      %add3A_194 = vector.broadcast %reduce_max3A_188 : f32 to vector<16xf32>
      %add3A_195 = arith.addf %masked_cumsum3A_193, %add3A_194 : vector<16xf32>
      %swap3A_196 = arith.constant 49 : index
      %swap3A_197 = tpu.vector_load %arg11[%swap3A_196] {strides = array<i32>} : memref<80xf32, #tpu.memory_space<vmem>>, vector<16xf32>,
      tpu.vector_store %arg11[%swap3A_196], %add3A_195 {strides = array<i32>} : memref<80xf32, #tpu.memory_space<vmem>>, vector<16xf32>,
      %reduce_max3A_198 = arith.constant true
      %reduce_max3A_199 = vector.broadcast %reduce_max3A_198 : i1 to vector<16xi1>
      %reduce_max3A_200 = tpu.scan <max>, %add3A_195 masked %reduce_max3A_199 : vector<16xf32>, vector<16xi1> -> vector<16xf32>
      %reduce_max3A_201 = vector.extract %reduce_max3A_200[15] : f32 from vector<16xf32>
      %get3A_202 = arith.constant 0 : index
      %get3A_203 = tpu.vector_load %arg11[%get3A_202] {strides = array<i32>} : memref<80xf32, #tpu.memory_space<vmem>>, vector<16xf32>,
      %get3A_204 = arith.constant 0 : index
      %get3A_205 = tpu.vector_load %arg10[%get3A_204] {strides = array<i32>} : memref<64xf32, #tpu.memory_space<vmem>>, vector<16xf32>,
      %lt3A_206 = arith.constant 0.899999976 : f32
      %lt3A_207 = vector.broadcast %lt3A_206 : f32 to vector<16xf32>
      %lt3A_208 = arith.cmpf olt, %get3A_203, %lt3A_207 : vector<16xf32>
      %eq3A = arith.constant 0 : i32
      %eq3A_209 = vector.broadcast %eq3A : i32 to vector<16xi32>
      %eq3A_210 = arith.cmpi eq, %iota3A, %eq3A_209 : vector<16xi32>
      %or3A = arith.ori %lt3A_208, %eq3A_210 : vector<16xi1>
      %add3A_211 = arith.addf %div3A_117, %get3A_205 : vector<16xf32>
      %jit3A_212 = arith.constant 0xFF800000 : f32
      %broadcast_in_dim3A_213 = vector.broadcast %jit3A_212 : f32 to vector<16xf32>
      %select_n3A_214 = arith.select %or3A, %add3A_211, %broadcast_in_dim3A_213 : vector<16xi1>, vector<16xf32>
      %reduce_max3A_215 = arith.constant true
      %reduce_max3A_216 = vector.broadcast %reduce_max3A_215 : i1 to vector<16xi1>
      %reduce_max3A_217 = tpu.scan <max>, %select_n3A_214 masked %reduce_max3A_216 : vector<16xf32>, vector<16xi1> -> vector<16xf32>
      %reduce_max3A_218 = vector.extract %reduce_max3A_217[15] : f32 from vector<16xf32>
      %max3A = arith.constant 0xFF800000 : f32
      %max3A_219 = arith.maximumf %max3A, %reduce_max3A_218 : f32
      %get3A_220 = arith.constant 16 : index
      %get3A_221 = tpu.vector_load %arg11[%get3A_220] {strides = array<i32>} : memref<80xf32, #tpu.memory_space<vmem>>, vector<16xf32>,
      %get3A_222 = arith.constant 16 : index
      %get3A_223 = tpu.vector_load %arg10[%get3A_222] {strides = array<i32>} : memref<64xf32, #tpu.memory_space<vmem>>, vector<16xf32>,
      %lt3A_224 = arith.constant 0.899999976 : f32
      %lt3A_225 = vector.broadcast %lt3A_224 : f32 to vector<16xf32>
      %lt3A_226 = arith.cmpf olt, %get3A_221, %lt3A_225 : vector<16xf32>
      %add3A_227 = arith.addf %div3A_124, %get3A_223 : vector<16xf32>
      %jit3A_228 = arith.constant 0xFF800000 : f32
      %broadcast_in_dim3A_229 = vector.broadcast %jit3A_228 : f32 to vector<16xf32>
      %select_n3A_230 = arith.select %lt3A_226, %add3A_227, %broadcast_in_dim3A_229 : vector<16xi1>, vector<16xf32>
      %reduce_max3A_231 = arith.constant true
      %reduce_max3A_232 = vector.broadcast %reduce_max3A_231 : i1 to vector<16xi1>
      %reduce_max3A_233 = tpu.scan <max>, %select_n3A_230 masked %reduce_max3A_232 : vector<16xf32>, vector<16xi1> -> vector<16xf32>
      %reduce_max3A_234 = vector.extract %reduce_max3A_233[15] : f32 from vector<16xf32>
      %max3A_235 = arith.maximumf %max3A_219, %reduce_max3A_234 : f32
      %get3A_236 = arith.constant 32 : index
      %get3A_237 = tpu.vector_load %arg11[%get3A_236] {strides = array<i32>} : memref<80xf32, #tpu.memory_space<vmem>>, vector<16xf32>,
      %get3A_238 = arith.constant 32 : index
      %get3A_239 = tpu.vector_load %arg10[%get3A_238] {strides = array<i32>} : memref<64xf32, #tpu.memory_space<vmem>>, vector<16xf32>,
      %lt3A_240 = arith.constant 0.899999976 : f32
      %lt3A_241 = vector.broadcast %lt3A_240 : f32 to vector<16xf32>
      %lt3A_242 = arith.cmpf olt, %get3A_237, %lt3A_241 : vector<16xf32>
      %add3A_243 = arith.addf %div3A_132, %get3A_239 : vector<16xf32>
      %jit3A_244 = arith.constant 0xFF800000 : f32
      %broadcast_in_dim3A_245 = vector.broadcast %jit3A_244 : f32 to vector<16xf32>
      %select_n3A_246 = arith.select %lt3A_242, %add3A_243, %broadcast_in_dim3A_245 : vector<16xi1>, vector<16xf32>
      %reduce_max3A_247 = arith.constant true
      %reduce_max3A_248 = vector.broadcast %reduce_max3A_247 : i1 to vector<16xi1>
      %reduce_max3A_249 = tpu.scan <max>, %select_n3A_246 masked %reduce_max3A_248 : vector<16xf32>, vector<16xi1> -> vector<16xf32>
      %reduce_max3A_250 = vector.extract %reduce_max3A_249[15] : f32 from vector<16xf32>
      %max3A_251 = arith.maximumf %max3A_235, %reduce_max3A_250 : f32
      %get3A_252 = arith.constant 48 : index
      %get3A_253 = tpu.vector_load %arg11[%get3A_252] {strides = array<i32>} : memref<80xf32, #tpu.memory_space<vmem>>, vector<16xf32>,
      %get3A_254 = arith.constant 48 : index
      %get3A_255 = tpu.vector_load %arg10[%get3A_254] {strides = array<i32>} : memref<64xf32, #tpu.memory_space<vmem>>, vector<16xf32>,
      %lt3A_256 = arith.constant 0.899999976 : f32
      %lt3A_257 = vector.broadcast %lt3A_256 : f32 to vector<16xf32>
      %lt3A_258 = arith.cmpf olt, %get3A_253, %lt3A_257 : vector<16xf32>
      %add3A_259 = arith.addf %div3A_140, %get3A_255 : vector<16xf32>
      %jit3A_260 = arith.constant 0xFF800000 : f32
      %broadcast_in_dim3A_261 = vector.broadcast %jit3A_260 : f32 to vector<16xf32>
      %select_n3A_262 = arith.select %lt3A_258, %add3A_259, %broadcast_in_dim3A_261 : vector<16xi1>, vector<16xf32>
      %reduce_max3A_263 = arith.constant true
      %reduce_max3A_264 = vector.broadcast %reduce_max3A_263 : i1 to vector<16xi1>
      %reduce_max3A_265 = tpu.scan <max>, %select_n3A_262 masked %reduce_max3A_264 : vector<16xf32>, vector<16xi1> -> vector<16xf32>
      %reduce_max3A_266 = vector.extract %reduce_max3A_265[15] : f32 from vector<16xf32>
      %max3A_267 = arith.maximumf %max3A_251, %reduce_max3A_266 : f32
      %eq3A_268 = vector.broadcast %max3A_267 : f32 to vector<16xf32>
      %eq3A_269 = arith.cmpf oeq, %select_n3A_214, %eq3A_268 : vector<16xf32>
      %all_reduce_ffs3A = tpu.all_reduce %eq3A_269 {dim = 0 : i64, kind = #tpu.reduction_kind<find_first_set>} : vector<16xi1> -> vector<16xi32>
      %reduce_min3A = arith.constant true
      %reduce_min3A_270 = vector.broadcast %reduce_min3A : i1 to vector<16xi1>
      %reduce_min3A_271 = arith.constant -2147483648 : i32
      %reduce_min3A_272 = vector.broadcast %reduce_min3A_271 : i32 to vector<16xi32>
      %reduce_min3A_273 = arith.xori %all_reduce_ffs3A, %reduce_min3A_272 : vector<16xi32>
      %reduce_min3A_274 = tpu.scan <min>, %reduce_min3A_273 masked %reduce_min3A_270 : vector<16xi32>, vector<16xi1> -> vector<16xi32>
      %reduce_min3A_275 = arith.xori %reduce_min3A_274, %reduce_min3A_272 : vector<16xi32>
      %reduce_min3A_276 = vector.extract %reduce_min3A_275[15] : i32 from vector<16xi32>
      %lt3A_277 = arith.constant 16 : i32
      %lt3A_278 = arith.cmpi slt, %reduce_min3A_276, %lt3A_277 : i32
      %add3A_279 = arith.constant 0 : i32
      %add3A_280 = arith.addi %add3A_279, %reduce_min3A_276 : i32
      %jit3A_281 = arith.constant 9999 : i32
      %select_n3A_282 = arith.select %lt3A_278, %add3A_280, %jit3A_281 : i32
      %min3A_283 = arith.constant 9999 : i32
      %min3A_284 = arith.minsi %min3A_283, %select_n3A_282 : i32
      %eq3A_285 = vector.broadcast %max3A_267 : f32 to vector<16xf32>
      %eq3A_286 = arith.cmpf oeq, %select_n3A_230, %eq3A_285 : vector<16xf32>
      %all_reduce_ffs3A_287 = tpu.all_reduce %eq3A_286 {dim = 0 : i64, kind = #tpu.reduction_kind<find_first_set>} : vector<16xi1> -> vector<16xi32>
      %reduce_min3A_288 = arith.constant true
      %reduce_min3A_289 = vector.broadcast %reduce_min3A_288 : i1 to vector<16xi1>
      %reduce_min3A_290 = arith.constant -2147483648 : i32
      %reduce_min3A_291 = vector.broadcast %reduce_min3A_290 : i32 to vector<16xi32>
      %reduce_min3A_292 = arith.xori %all_reduce_ffs3A_287, %reduce_min3A_291 : vector<16xi32>
      %reduce_min3A_293 = tpu.scan <min>, %reduce_min3A_292 masked %reduce_min3A_289 : vector<16xi32>, vector<16xi1> -> vector<16xi32>
      %reduce_min3A_294 = arith.xori %reduce_min3A_293, %reduce_min3A_291 : vector<16xi32>
      %reduce_min3A_295 = vector.extract %reduce_min3A_294[15] : i32 from vector<16xi32>
      %lt3A_296 = arith.constant 16 : i32
      %lt3A_297 = arith.cmpi slt, %reduce_min3A_295, %lt3A_296 : i32
      %add3A_298 = arith.constant 16 : i32
      %add3A_299 = arith.addi %add3A_298, %reduce_min3A_295 : i32
      %jit3A_300 = arith.constant 9999 : i32
      %select_n3A_301 = arith.select %lt3A_297, %add3A_299, %jit3A_300 : i32
      %min3A_302 = arith.minsi %min3A_284, %select_n3A_301 : i32
      %eq3A_303 = vector.broadcast %max3A_267 : f32 to vector<16xf32>
      %eq3A_304 = arith.cmpf oeq, %select_n3A_246, %eq3A_303 : vector<16xf32>
      %all_reduce_ffs3A_305 = tpu.all_reduce %eq3A_304 {dim = 0 : i64, kind = #tpu.reduction_kind<find_first_set>} : vector<16xi1> -> vector<16xi32>
      %reduce_min3A_306 = arith.constant true
      %reduce_min3A_307 = vector.broadcast %reduce_min3A_306 : i1 to vector<16xi1>
      %reduce_min3A_308 = arith.constant -2147483648 : i32
      %reduce_min3A_309 = vector.broadcast %reduce_min3A_308 : i32 to vector<16xi32>
      %reduce_min3A_310 = arith.xori %all_reduce_ffs3A_305, %reduce_min3A_309 : vector<16xi32>
      %reduce_min3A_311 = tpu.scan <min>, %reduce_min3A_310 masked %reduce_min3A_307 : vector<16xi32>, vector<16xi1> -> vector<16xi32>
      %reduce_min3A_312 = arith.xori %reduce_min3A_311, %reduce_min3A_309 : vector<16xi32>
      %reduce_min3A_313 = vector.extract %reduce_min3A_312[15] : i32 from vector<16xi32>
      %lt3A_314 = arith.constant 16 : i32
      %lt3A_315 = arith.cmpi slt, %reduce_min3A_313, %lt3A_314 : i32
      %add3A_316 = arith.constant 32 : i32
      %add3A_317 = arith.addi %add3A_316, %reduce_min3A_313 : i32
      %jit3A_318 = arith.constant 9999 : i32
      %select_n3A_319 = arith.select %lt3A_315, %add3A_317, %jit3A_318 : i32
      %min3A_320 = arith.minsi %min3A_302, %select_n3A_319 : i32
      %eq3A_321 = vector.broadcast %max3A_267 : f32 to vector<16xf32>
      %eq3A_322 = arith.cmpf oeq, %select_n3A_262, %eq3A_321 : vector<16xf32>
      %all_reduce_ffs3A_323 = tpu.all_reduce %eq3A_322 {dim = 0 : i64, kind = #tpu.reduction_kind<find_first_set>} : vector<16xi1> -> vector<16xi32>
      %reduce_min3A_324 = arith.constant true
      %reduce_min3A_325 = vector.broadcast %reduce_min3A_324 : i1 to vector<16xi1>
      %reduce_min3A_326 = arith.constant -2147483648 : i32
      %reduce_min3A_327 = vector.broadcast %reduce_min3A_326 : i32 to vector<16xi32>
      %reduce_min3A_328 = arith.xori %all_reduce_ffs3A_323, %reduce_min3A_327 : vector<16xi32>
      %reduce_min3A_329 = tpu.scan <min>, %reduce_min3A_328 masked %reduce_min3A_325 : vector<16xi32>, vector<16xi1> -> vector<16xi32>
      %reduce_min3A_330 = arith.xori %reduce_min3A_329, %reduce_min3A_327 : vector<16xi32>
      %reduce_min3A_331 = vector.extract %reduce_min3A_330[15] : i32 from vector<16xi32>
      %lt3A_332 = arith.constant 16 : i32
      %lt3A_333 = arith.cmpi slt, %reduce_min3A_331, %lt3A_332 : i32
      %add3A_334 = arith.constant 48 : i32
      %add3A_335 = arith.addi %add3A_334, %reduce_min3A_331 : i32
      %jit3A_336 = arith.constant 9999 : i32
      %select_n3A_337 = arith.select %lt3A_333, %add3A_335, %jit3A_336 : i32
      %min3A_338 = arith.minsi %min3A_320, %select_n3A_337 : i32
      %jit3A_339 = arith.constant 16 : i32
      %div3A_340 = arith.divsi %min3A_338, %jit3A_339 : i32
      %sign3A_341 = arith.constant 0 : i32
      %sign3A_342 = arith.cmpi sgt, %min3A_338, %sign3A_341 : i32
      %sign3A_343 = arith.extui %sign3A_342 : i1 to i32
      %sign3A_344 = arith.constant 0 : i32
      %sign3A_345 = arith.cmpi slt, %min3A_338, %sign3A_344 : i32
      %sign3A_346 = arith.extui %sign3A_345 : i1 to i32
      %sign3A_347 = arith.subi %sign3A_343, %sign3A_346 : i32
      %sign3A_348 = arith.constant 0 : i32
      %sign3A_349 = arith.cmpi sgt, %jit3A_339, %sign3A_348 : i32
      %sign3A_350 = arith.extui %sign3A_349 : i1 to i32
      %sign3A_351 = arith.constant 0 : i32
      %sign3A_352 = arith.cmpi slt, %jit3A_339, %sign3A_351 : i32
      %sign3A_353 = arith.extui %sign3A_352 : i1 to i32
      %sign3A_354 = arith.subi %sign3A_350, %sign3A_353 : i32
      %ne3A_355 = arith.cmpi ne, %sign3A_347, %sign3A_354 : i32
      %rem3A_356 = arith.remsi %min3A_338, %jit3A_339 : i32
      %ne3A_357 = arith.constant 0 : i32
      %ne3A_358 = arith.cmpi ne, %rem3A_356, %ne3A_357 : i32
      %and3A_359 = arith.andi %ne3A_355, %ne3A_358 : i1
      %sub3A_360 = arith.constant 1 : i32
      %sub3A_361 = arith.subi %div3A_340, %sub3A_360 : i32
      %select_n3A_362 = arith.select %and3A_359, %sub3A_361, %div3A_340 : i32
      %mul3A_363 = arith.constant 16 : i32
      %mul3A_364 = arith.muli %select_n3A_362, %mul3A_363 : i32
      %get3A_365 = arith.index_cast %mul3A_364 : i32 to index
      %get3A_366 = tpu.vector_load %arg9[%get3A_365] {strides = array<i32>} : memref<64xf32, #tpu.memory_space<vmem>>, vector<16xf32>,
      %div3A_367 = arith.constant 0.699999988 : f32
      %div3A_368 = vector.broadcast %div3A_367 : f32 to vector<16xf32>
      %div3A_369 = arith.divf %get3A_366, %div3A_368 : vector<16xf32>
      %sub3A_370 = arith.subi %min3A_338, %mul3A_364 : i32
      %eq3A_371 = vector.broadcast %sub3A_370 : i32 to vector<16xi32>
      %eq3A_372 = arith.cmpi eq, %iota3A, %eq3A_371 : vector<16xi32>
      %jit3A_373 = arith.constant 0xFF800000 : f32
      %broadcast_in_dim3A_374 = vector.broadcast %jit3A_373 : f32 to vector<16xf32>
      %select_n3A_375 = arith.select %eq3A_372, %div3A_369, %broadcast_in_dim3A_374 : vector<16xi1>, vector<16xf32>
      %reduce_max3A_376 = arith.constant true
      %reduce_max3A_377 = vector.broadcast %reduce_max3A_376 : i1 to vector<16xi1>
      %reduce_max3A_378 = tpu.scan <max>, %select_n3A_375 masked %reduce_max3A_377 : vector<16xf32>, vector<16xi1> -> vector<16xf32>
      %reduce_max3A_379 = vector.extract %reduce_max3A_378[15] : f32 from vector<16xf32>
      %jit3A_380 = arith.constant 16 : i32
      %div3A_381 = arith.divsi %add3A_13, %jit3A_380 : i32
      %sign3A_382 = arith.constant 0 : i32
      %sign3A_383 = arith.cmpi sgt, %add3A_13, %sign3A_382 : i32
      %sign3A_384 = arith.extui %sign3A_383 : i1 to i32
      %sign3A_385 = arith.constant 0 : i32
      %sign3A_386 = arith.cmpi slt, %add3A_13, %sign3A_385 : i32
      %sign3A_387 = arith.extui %sign3A_386 : i1 to i32
      %sign3A_388 = arith.subi %sign3A_384, %sign3A_387 : i32
      %sign3A_389 = arith.constant 0 : i32
      %sign3A_390 = arith.cmpi sgt, %jit3A_380, %sign3A_389 : i32
      %sign3A_391 = arith.extui %sign3A_390 : i1 to i32
      %sign3A_392 = arith.constant 0 : i32
      %sign3A_393 = arith.cmpi slt, %jit3A_380, %sign3A_392 : i32
      %sign3A_394 = arith.extui %sign3A_393 : i1 to i32
      %sign3A_395 = arith.subi %sign3A_391, %sign3A_394 : i32
      %ne3A_396 = arith.cmpi ne, %sign3A_388, %sign3A_395 : i32
      %rem3A_397 = arith.remsi %add3A_13, %jit3A_380 : i32
      %ne3A_398 = arith.constant 0 : i32
      %ne3A_399 = arith.cmpi ne, %rem3A_397, %ne3A_398 : i32
      %and3A_400 = arith.andi %ne3A_396, %ne3A_399 : i1
      %sub3A_401 = arith.constant 1 : i32
      %sub3A_402 = arith.subi %div3A_381, %sub3A_401 : i32
      %select_n3A_403 = arith.select %and3A_400, %sub3A_402, %div3A_381 : i32
      %mul3A_404 = arith.constant 16 : i32
      %mul3A_405 = arith.muli %select_n3A_403, %mul3A_404 : i32
      %get3A_406 = arith.index_cast %mul3A_405 : i32 to index
      %get3A_407 = tpu.vector_load %arg12[%get3A_406] {strides = array<i32>} : memref<16xf32, #tpu.memory_space<vmem>>, vector<16xf32>,
      %sub3A_408 = arith.subi %add3A_13, %mul3A_405 : i32
      %eq3A_409 = vector.broadcast %sub3A_408 : i32 to vector<16xi32>
      %eq3A_410 = arith.cmpi eq, %iota3A, %eq3A_409 : vector<16xi32>
      %broadcast_in_dim3A_411 = vector.broadcast %reduce_max3A_379 : f32 to vector<16xf32>
      %select_n3A_412 = arith.select %eq3A_410, %broadcast_in_dim3A_411, %get3A_407 : vector<16xi1>, vector<16xf32>
      %swap3A_413 = arith.index_cast %mul3A_405 : i32 to index
      %swap3A_414 = tpu.vector_load %arg12[%swap3A_413] {strides = array<i32>} : memref<16xf32, #tpu.memory_space<vmem>>, vector<16xf32>,
      tpu.vector_store %arg12[%swap3A_413], %select_n3A_412 {strides = array<i32>} : memref<16xf32, #tpu.memory_space<vmem>>, vector<16xf32>,
    }
    %scan3A_8 = arith.constant 4 : i32
    "tpu.region"() ({
      %run_scoped3A = tpu.sem_alloc : memref<!tpu.dma_semaphore, #tpu.memory_space<semaphore_mem>>
      %dma_start3A = arith.constant 0 : i32
      %dma_start3A_9 = tpu.memref_slice %arg4[%add3A, %dma_start3A] : memref<32x16xf32, #tpu.memory_space<hbm>> -> memref<1x16xf32, #tpu.memory_space<hbm>>
      %dma_start3A_10 = tpu.memref_squeeze %dma_start3A_9 : memref<1x16xf32, #tpu.memory_space<hbm>> -> memref<16xf32, #tpu.memory_space<hbm>>
      %dma_start3A_11 = arith.constant 0 : i32
      %dma_start3A_12 = tpu.memref_slice %arg4[%add3A, %dma_start3A_11] : memref<32x16xf32, #tpu.memory_space<hbm>> -> memref<1x16xf32, #tpu.memory_space<hbm>>
      %dma_start3A_13 = tpu.memref_squeeze %dma_start3A_12 : memref<1x16xf32, #tpu.memory_space<hbm>> -> memref<16xf32, #tpu.memory_space<hbm>>
      tpu.enqueue_dma source(%arg12 : memref<16xf32, #tpu.memory_space<vmem>>) target(%dma_start3A_13 : memref<16xf32, #tpu.memory_space<hbm>>) target_semaphore(%run_scoped3A : memref<!tpu.dma_semaphore, #tpu.memory_space<semaphore_mem>>)
      %dma_wait3A = arith.constant 0 : i32
      %dma_wait3A_14 = tpu.memref_slice %arg4[%add3A, %dma_wait3A] : memref<32x16xf32, #tpu.memory_space<hbm>> -> memref<1x16xf32, #tpu.memory_space<hbm>>
      %dma_wait3A_15 = tpu.memref_squeeze %dma_wait3A_14 : memref<1x16xf32, #tpu.memory_space<hbm>> -> memref<16xf32, #tpu.memory_space<hbm>>
      %dma_wait3A_16 = arith.constant 0 : i32
      %dma_wait3A_17 = tpu.memref_slice %arg4[%add3A, %dma_wait3A_16] : memref<32x16xf32, #tpu.memory_space<hbm>> -> memref<1x16xf32, #tpu.memory_space<hbm>>
      %dma_wait3A_18 = tpu.memref_squeeze %dma_wait3A_17 : memref<1x16xf32, #tpu.memory_space<hbm>> -> memref<16xf32, #tpu.memory_space<hbm>>
      tpu.wait_dma2 semaphore(%run_scoped3A : memref<!tpu.dma_semaphore, #tpu.memory_space<semaphore_mem>>) src(%arg12 : memref<16xf32, #tpu.memory_space<vmem>>) dst(%dma_wait3A_18 : memref<16xf32, #tpu.memory_space<hbm>>)
      tpu.yield
    }) : () -> ()
    return
  }
}

</mosaic_0001>

<sc_bundles>
// kernel: kernel.3.cloned.1.call-start
scs
__scs_entry_jumppad:
0x0: {  	(pc) =	sbr.rel $0x88, $3  }
0x1: {  	(tag) =	ssettag $0x0;
	lr =	simm.s32 $0x1  }
0x2: {  	[smem:$0x3FA0] =	sst lr;
	_ =	strace $0xD0000000  }
0x3: {  	_ = 	snop  }
0x4: {  	_ = 	snop  }
0x5: {  	_ = 	snop  }
0x6: {  	_ = 	snop  }
0x7: {  	_ = 	snop  }
__scs_overlays_trampoline_lowered:
0x8: {  	[smem:$0x3FAF] =	sst s0  }
0x9: {  	[smem:$0x3FB0] =	sst s1  }
0xa: {  	[smem:$0x3FB1] =	sst s2  }
0xb: {  	[smem:$0x3FB2] =	sst s3  }
0xc: {  	[smem:$0x3FB3] =	sst s4  }
0xd: {  	[smem:$0x3FB4] =	sst s5  }
0xe: {  	[smem:$0x3FB5] =	sst s6  }
0xf: {  	[smem:$0x3FB6] =	sst s7  }
0x10: {  	[smem:$0x3FB7] =	sst s8  }
0x11: {  	[smem:$0x3FB8] =	sst s9;
	s0 =	simm.s32 @!p0 $0x0  }
0x12: {  	s1 =	sld [smem:$0x3F9E];
	s0 =	simm.s32 @p0 $0x1  }
0x13: {  	[smem:$0x3FB9] =	sst s0;
	s0 =	simm.s32 @!p1 $0x0  }
0x14: {  	s2 =	sld [smem:$0x3F9D];
	s0 =	simm.s32 @p1 $0x1  }
0x15: {  	[smem:$0x3FBA] =	sst s0;
	s0 =	simm.s32 @!p2 $0x0  }
0x16: {  	s3 =	sld [smem:$0x3FDB];
	s0 =	simm.s32 @p2 $0x1  }
0x17: {  	s4 =	simm.s32 $0x1BF5;
	[smem:$0x3FBC] =	sst s0  }
0x18: {  	s0 =	sld [smem:$0x3F9F];
	_ =	swait.ge [sflag:s4], $0x0  }
0x19: {  	s7 =	sld [smem:$0x3FA0]  }
0x1a: {  	s8 =	sadd.s32 $0xFFFFE003, lr  }
0x1b: {  	s9 =	sadd.s32 $0xFFFFFEF7, lr;
	s5 =	simm.s32 $0xFFFFFFFF;
	p2 =	slt.u32 s8, $0xFFFFF086  }
0x1c: {  	p1 =	slt.u32 s9, $0xF7A;
	s5 =	simm.s32 @!p2 $0x0  }
0x1d: {  	s5 =	simm.s32 @p1 $0x1;
	p0 =	seq.s32 s7, s2  }
0x1e: {  	s7 =	smul.u32 @!p0 $0xF7A, s2;
	p2 =	seq.s32 @!p0 s5, $0x0  }
0x1f: {  	s9 =	smul.u32 $0xF7A, s1;
	s8 =	simm.s32 @!p0 $0x1BF5;
	p2 =	por !p2, p0  }
0x20: {  	[sflag:s8] =	ssyncset.s32 @!p0 $0xFFFFF086;
	s6 =	sadd.s32 @!p0 s3, s7;
	s7 =	simm.s32 @!p0 $0x108  }
0x21: {  	s3 =	sadd.s32 s3, s9;
	s6 =	sadd.s32 @!p0 $0x88, s6;
	s7 =	simm.s32 @p2 $0x1082  }
0x22: {  	[simem:s7], [sflag:s8] =	dma.local @!p0 [hbm:s6], $0xF7A  }
0x23: {  	s9 =	sor.u32 $0xD0000000, s2;
	s6 =	simm.s32 $0x108;
	_ =	swait.ge @!p0 [sflag:s8], $0x0  }
0x24: {  	s3 =	sadd.s32 $0x88, s3;
	s6 =	simm.s32 @!p1 $0x1082;
	[sflag:s4] =	ssyncset.s32 $0xFFFFF086  }
0x25: {  	[simem:s6], [sflag:s4] =	dma.local [hbm:s3], $0xF7A  }
0x26: {  	[smem:$0x3FA0] =	sst s1;
	(tag) =	ssettag s2;
	_ =	strace s9  }
0x27: {  	s1 =	sld [smem:$0x3FB0]  }
0x28: {  	s2 =	sld [smem:$0x3FB1]  }
0x29: {  	s4 =	sld [smem:$0x3FB3]  }
0x2a: {  	p0 =	seq.s32 s5, $0x0;
	s5 =	sld [smem:$0x3FB4]  }
0x2b: {  	s6 =	sld [smem:$0x3FB5]  }
0x2c: {  	s7 =	sld [smem:$0x3FB6]  }
0x2d: {  	s3 =	simm.s32 $0x108;
	s8 =	sld [smem:$0x3FB7]  }
0x2e: {  	s3 =	simm.s32 @!p0 $0x1082;
	s9 =	sld [smem:$0x3FB8]  }
0x2f: {  	lr =	sadd.s32 s0, s3;
	s0 =	sld [smem:$0x3FAF]  }
0x30: {  	s3 =	sld [smem:$0x3FB2]  }
0x31: {  	[smem:$0x3FBB] =	sst s10  }
0x32: {  	s10 =	sld [smem:$0x3FB9];
	_ =	sdelay $0x3  }
0x33: {  	p0 =	seq.s32 s10, $0x1;
	s10 =	sld [smem:$0x3FBB];
	_ =	sdelay $0x3  }
0x34: {  	[smem:$0x3FBB] =	sst s10  }
0x35: {  	s10 =	sld [smem:$0x3FBA];
	_ =	sdelay $0x3  }
0x36: {  	p1 =	seq.s32 s10, $0x1;
	s10 =	sld [smem:$0x3FBB];
	_ =	sdelay $0x3  }
0x37: {  	[smem:$0x3FBB] =	sst s10  }
0x38: {  	s10 =	sld [smem:$0x3FBC]  }
0x39: {  	_ = 	snop;
	(pc) =	sbr.ind lr, $3  }
0x3a: {  	_ = 	snop  }
0x3b: {  	_ = 	snop  }
0x3c: {  	p2 =	seq.s32 s10, $0x1;
	s10 =	sld [smem:$0x3FBB]  }
0x3d: {  	_ =	shalt  }
0x3e: {  	_ =	shalt  }
0x3f: {  	_ =	shalt  }
0x40: {  	_ =	shalt  }
0x41: {  	_ =	shalt  }
0x42: {  	_ =	shalt  }
0x43: {  	_ =	shalt  }
0x44: {  	_ =	shalt  }
0x45: {  	_ =	shalt  }
0x46: {  	_ =	shalt  }
0x47: {  	_ =	shalt  }
0x48: {  	_ =	shalt  }
0x49: {  	_ =	shalt  }
0x4a: {  	_ =	shalt  }
0x4b: {  	_ =	shalt  }
0x4c: {  	_ =	shalt  }
0x4d: {  	_ =	shalt  }
0x4e: {  	_ =	shalt  }
0x4f: {  	_ =	shalt  }
0x50: {  	_ =	shalt  }
0x51: {  	_ =	shalt  }
0x52: {  	_ =	shalt  }
0x53: {  	_ =	shalt  }
0x54: {  	_ =	shalt  }
0x55: {  	_ =	shalt  }
0x56: {  	_ =	shalt  }
0x57: {  	_ =	shalt  }
0x58: {  	_ =	shalt  }
0x59: {  	_ =	shalt  }
0x5a: {  	_ =	shalt  }
0x5b: {  	_ =	shalt  }
0x5c: {  	_ =	shalt  }
0x5d: {  	_ =	shalt  }
0x5e: {  	_ =	shalt  }
0x5f: {  	_ =	shalt  }
0x60: {  	_ =	shalt  }
0x61: {  	_ =	shalt  }
0x62: {  	_ =	shalt  }
0x63: {  	_ =	shalt  }
0x64: {  	_ =	shalt  }
0x65: {  	_ =	shalt  }
0x66: {  	_ =	shalt  }
0x67: {  	_ =	shalt  }
0x68: {  	_ =	shalt  }
0x69: {  	_ =	shalt  }
0x6a: {  	_ =	shalt  }
0x6b: {  	_ =	shalt  }
0x6c: {  	_ =	shalt  }
0x6d: {  	_ =	shalt  }
0x6e: {  	_ =	shalt  }
0x6f: {  	_ =	shalt  }
0x70: {  	_ =	shalt  }
0x71: {  	_ =	shalt  }
0x72: {  	_ =	shalt  }
0x73: {  	_ =	shalt  }
0x74: {  	_ =	shalt  }
0x75: {  	_ =	shalt  }
0x76: {  	_ =	shalt  }
0x77: {  	_ =	shalt  }
0x78: {  	_ =	shalt  }
0x79: {  	_ =	shalt  }
0x7a: {  	_ =	shalt  }
0x7b: {  	_ =	shalt  }
0x7c: {  	_ =	shalt  }
0x7d: {  	_ =	shalt  }
0x7e: {  	_ =	shalt  }
0x7f: {  	_ =	shalt  }
0x80: {  	_ =	shalt  }
0x81: {  	_ =	shalt  }
0x82: {  	_ =	shalt  }
0x83: {  	_ =	shalt  }
0x84: {  	_ =	shalt  }
0x85: {  	_ =	shalt  }
0x86: {  	_ =	shalt  }
0x87: {  	_ =	shalt  }
.Lfunc_end0:
.L_simem_size_0:
called_computation_lowered:
.L_overlay_start_0:
0x88: {  	s2 =	sld [smem:$0x3FD9]  }
0x89: {  	s3 =	sld [smem:$0x3FFE];
	_ =	sdelay $0x1  }
0x8a: {  	s1 =	srdreg.scid  }
0x8b: {  	s0 =	sand.u32 $0x1, s1  }
0x8c: {  	s16 =	sshll.u32 s0, $0xA;
	s2 =	sadd.s32 s3, s2  }
0x8d: {  	s2 =	sadd.s32 s2, s16  }
0x8e: {  	[smem:$0x3FC7] =	sst s2  }
0x8f: {  	_ = 	snop  }
0x90: {  	(tm) =	ssettm $0x1  }
0x91: {  	s17 =	sld [smem:$0x3FFB];
	_ =	sdelay $0x3  }
0x92: {  	_ =	strace s17  }
0x93: {  	s2 =	sld [smem:$0x3FFC];
	_ =	sdelay $0x3  }
0x94: {  	_ =	strace s2  }
0x95: {  	s2 =	sld [smem:$0x3FFD];
	_ =	sdelay $0x3  }
0x96: {  	_ =	strace s2  }
0x97: {  	_ =	strace $0x8FFFFFFF  }
0x98: {  	s18 =	sld [smem:$0x3FDB];
	_ =	sdelay $0x1  }
0x99: {  	s19 =	simm.s32 $_scs_section_size  }
0x9a: {  	s4 =	simm.s32 $_size__tile_overlayer_lowered;
	s5 =	simm.s32 $_tile_overlayer_lowered  }
0x9b: {  	s22 =	simm.s32 $0x1BFF;
	s21 =	sshll.u32 s5, $0x1;
	s2 =	sadd.s32 s19, s18  }
0x9c: {  	s6 =	simm.s32 $0x0;
	s20 =	sshll.u32 s4, $0x1;
	s4 =	sadd.s32 s21, s2  }
0x9d: {  	[timem:s6], [sflag:s22] =	dma.local [hbm:s4], s20  }
0x9e: {  	_ =	swait.ge [sflag:s22], s20  }
0x9f: {  	s3 =	ssub.s32 $0x0, s20;
	[sflag:s22] =	ssyncset.done $0x0  }
0xa0: {  	[sflag:s22] =	ssyncadd.s32 s3;
	_ =	sdelay $0x1  }
0xa1: {  	s23 =	simm.s32 $0x1B8B  }
0xa2: {  	_ =	swait.ge [sflag:s23], $0x1  }
0xa3: {  	[sflag:s23] =	ssyncset.done $0x0  }
0xa4: {  	s25 =	simm.s32 $0x1B8E;
	s24 =	sld [smem:$0x3FFE];
	[sflag:s23] =	ssyncadd.s32 $0xFFFFFFFF  }
0xa5: {  	s26 =	simm.s32 $execute0_lowered;
	[smem:$0x3FD2] =	sst s25  }
0xa6: {  	s4 =	sshll.u32 s26, $0x1;
	_ =	strace $0x80000046;
	[dreg:$0x1] =	wrdreg $0xFFFFFFFF  }
0xa7: {  	s28 =	simm.s32 $_size_execute0_lowered;
	s2 =	sadd.s32 s2, s4;
	[dreg:$0x0] =	wrdreg $0x0  }
0xa8: {  	s4 =	sshll.u32 s28, $0x1;
	[dreg:$0x2] =	wrdreg s2  }
0xa9: {  	[dreg:$0x3] =	wrdreg s4  }
0xaa: {  	[dreg:$0x4] =	wrdreg $0xC0  }
0xab: {  	_ =	task [dreg:s6], $0x5FFFF  }
0xac: {  	[dreg:$0x1] =	wrdreg $0xFFFFFFFF  }
0xad: {  	[dreg:$0x0] =	wrdreg $0x60  }
0xae: {  	[dreg:$0x2] =	wrdreg s24  }
0xaf: {  	[dreg:$0x3] =	wrdreg $0x9  }
0xb0: {  	_ =	task.clear_ibuf [dreg:s6], $0x4FFFF;
	_ =	strace $0x90000046  }
0xb1: {  	s29 =	simm.s32 $0x9;
	_ =	strace $0x80000048  }
0xb2: {  	_ =	swait.ge [sflag:s29], $0x1  }
0xb3: {  	[sflag:s29] =	ssyncadd.s32 $0xFFFFFFFF  }
0xb4: {  	_ =	strace $0x90000048  }
0xb5: {  	_ =	sfence  }
0xb6: {  	s30 =	sld [smem:$0x0];
	_ =	sdelay $0x2  }
0xb7: {  	s31 =	sshll.u32 s1, $0xD;
	s1 =	sshrl.u32 s1, $0x2  }
0xb8: {  	s3 =	sand.u32 $0x4000, s31;
	s1 =	sadd.s32 s1, s30  }
0xb9: {  	s0 =	sor.u32 s3, s0;
	s1 =	sshll.u32 s1, $0x11  }
0xba: {  	s0 =	sor.u32 s1, s0  }
0xbb: {  	s0 =	sadd.s32 $0x8F2B, s0  }
0xbc: {  	[sflag:s0] =	ssyncadd.remote.s32 $0x1  }
0xbd: {  	_ =	sfence.sel $0xFFFF  }
0xbe: {  	[dreg:$0x0] =	wrdreg $0xFFFFFFFF;
	(pc) =	sbr.abs _section_cstart, $3  }
0xbf: {  	[dreg:$0x1] =	wrdreg $0xFFFFFFFF  }
0xc0: {  	_ =	task.clear_ibuf [dreg:s6], $0x2FFFF;
	_ =	strace $0x9FFFFFFF  }
0xc1: {  	(tm) =	ssettm $0x7FFFFFFF  }
tec
execute0_lowered:
.L_overlay_start_1:
0x0: {  	(tag) =	ssettag $0x1  }
0x1: {  	s3 =	rddreg [dreg:$0x0];
	s1 =	simm.s32 $0x0  }
0x2: {  	[smem:$0x7FF] =	sst s1  }
0x3: {  	s0 =	rddreg [dreg:$0x1];
	v0 =	vimm.f32 $6.999999880e-01;
	_ =	strace $0x80000047  }
0x4: {  	(erf) = vrcp.f32 v0  }
0x5: {  	s4 =	srdreg.scid  }
0x6: {  	s11 =	simm.s32 $0x400;
	s12 =	simm.s32 $0x1;
	s13 =	simm.s32 $0x19100  }
0x7: {  	s14 =	simm.s32 $0x18700;
	s15 =	simm.s32 $0x19200;
	s16 =	simm.s32 $0x0  }
0x8: {  	s2 =	sadd.s32 $0x600, s3;
	s6 =	sand.u32 $0x1, s4;
	s4 =	sadd.s32 $0x187600, s3  }
.Ltmp0:
0x9: {  	s5 =	sshll.u32 s6, $0x4;
	s7 =	ssub.s32 $0x2, s6;
	(pc) =	sbr.rel .LBB2_1-.Ltmp0, $4  }
0xa: {  	s8 =	sadd.s32 s5, s3;
	s3 =	stileid.u32;
	s31 =	sshrl.u32 s7, $0x1  }
0xb: {  	s6 =	sshll.u32 s6, $0x9;
	s9 =	ssub.s32 s7, s31;
	s10 =	sshll.u32 s3, $0x5  }
0xc: {  	v1 =	vimm.f32 $-Inf;
	v3 =	vlaneseq.u32;
	s5 =	smul.u32 $0xC3800, s3;
	s7 =	sshll.u32 s3, $0xA;
	s8 =	sadd.s32 s10, s8  }
0xd: {  	v4 =	vimm.s32 $0x0;
	vm0 =	vmxor vm0, vm0;
	v0 =	vimm.f32 $0.0e+00;
	s9 =	smax.u32 s9, $0x1;
	s10 =	simm.s32 $0x80;
	s8 =	sadd.s32 $0x187E00, s8;
	v2 =	vpop (erf)  }
.LBB2_19:
0xe: {  	s16 =	sadd.s32 $0x1, s16  }
0xf: {  	p0 =	sne.s32 s16, s9  }
.Ltmp1:
0x10: {  	_ = 	snop;
	(pc) =	sbr.rel @!p0 .LBB2_20-.Ltmp1, $4  }
0x11: {  	[hbm4b:s8+s1] =	stream.linear.scatter [tilespmem:s15], [sflag:$0x1], $0x80, $0x38;
	[tilespmem:$0x19280] =	vst v63  }
0x12: {  	_ =	swait.ge [sflag:s12], $0x80  }
0x13: {  	[sflag:s12] =	ssyncset.done $0x0  }
0x14: {  	[sflag:s12] =	ssyncadd.s32 $0xFFFFFF80  }
.LBB2_1:
.Ltmp2:
0x15: {  	(pc) =	sbr.rel .LBB2_2-.Ltmp2, $2  }
0x16: {  	_ =	sdelay $0x2  }
0x17: {  	[tilespmem:$0x19200] =	vst v0;
	s17 =	simm.s32 $0x0  }
.LBB2_18:
0x18: {  	v5 =	vld [tilespmem:$0x19080];
	_ =	sdelay $0x2  }
0x19: {  	v6 =	vld [tilespmem:$0x19090];
	_ =	sdelay $0x1  }
0x1a: {  	v7 =	vld [tilespmem:$0x190A0];
	v5 =	vmul.f32 v5, v2;
	_ =	sdelay $0x1  }
0x1b: {  	v9 =	vld [tilespmem:$0x190B0];
	v8 =	vbroadcast v5, $0x0  }
0x1c: {  	v6 =	vmul.f32 v6, v2  }
0x1d: {  	v10 =	vsub.f32 v5, v8  }
0x1e: {  	v7 =	vmul.f32 v7, v2;
	v11 =	vsub.f32 v6, v8  }
0x1f: {  	v10 =	vmul.f32 $1.442695020e+00, v10  }
0x20: {  	v9 =	vmul.f32 v9, v2;
	v12 =	vsub.f32 v7, v8;
	v11 =	vmul.f32 $1.442695020e+00, v11  }
0x21: {  	(erf) = vpow2.f32 v10  }
0x22: {  	v8 =	vsub.f32 v9, v8;
	v43 =	vmul.f32 $1.442695020e+00, v12;
	(erf) = vpow2.f32 v11;
	_ =	sdelay $0x1  }
0x23: {  	v8 =	vmul.f32 $1.442695020e+00, v8;
	(erf) = vpow2.f32 v43;
	_ =	sdelay $0x1  }
0x24: {  	(erf) = vpow2.f32 v8;
	_ =	sdelay $0x3  }
0x25: {  	v44 =	vpop (erf)  }
0x26: {  	v45 =	vpop (erf)  }
0x27: {  	v46 =	vadd.f32 v45, v44  }
0x28: {  	v47 =	vpop (erf)  }
0x29: {  	v11 =	vadd.f32 v47, v46  }
0x2a: {  	v13 =	vpop (erf)  }
0x2b: {  	v11 =	vadd.f32 v13, v11;
	_ =	sdelay $0x1  }
0x2c: {  	(xrf2) =	vadd.scan.msk.f32 $0xffff, v11;
	_ =	sdelay $0x9  }
0x2d: {  	v11, _, _ =	vpop (xrf2)  }
0x2e: {  	v11 =	vbroadcast v11, $0xF;
	_ =	sdelay $0x1  }
0x2f: {  	(erf) = vrcp.f32 v11;
	_ =	sdelay $0x8  }
0x30: {  	v11 =	vpop (erf)  }
0x31: {  	v8 =	vmul.f32 v11, v44;
	_ =	sdelay $0x1  }
0x32: {  	(xrf2) =	vadd.scan.msk.f32 $0xffff, v8;
	_ =	sdelay $0x8  }
0x33: {  	v48 =	vmul.f32 v11, v45  }
0x34: {  	v49, _, _ =	vpop (xrf2)  }
0x35: {  	(xrf2) =	vadd.scan.msk.f32 $0xffff, v48;
	v10 =	vadd.f32 $0.0e+00, v49;
	_ =	sdelay $0x1  }
0x36: {  	(xrf0) =	vmax.scan.msk.f32 $0xffff, v10;
	_ =	sdelay $0x5  }
0x37: {  	v50, _, _ =	vpop (xrf0)  }
0x38: {  	v12 =	vmul.f32 v11, v47;
	v8 =	vbroadcast v50, $0xF  }
0x39: {  	v14, _, _ =	vpop (xrf2)  }
0x3a: {  	(xrf2) =	vadd.scan.msk.f32 $0xffff, v12;
	v8 =	vadd.f32 v8, v14;
	_ =	sdelay $0x1  }
0x3b: {  	(xrf0) =	vmax.scan.msk.f32 $0xffff, v8;
	_ =	sdelay $0x5  }
0x3c: {  	v51, _, _ =	vpop (xrf0)  }
0x3d: {  	v11 =	vmul.f32 v11, v13;
	v12 =	vbroadcast v51, $0xF  }
0x3e: {  	v52, _, _ =	vpop (xrf2)  }
0x3f: {  	(xrf2) =	vadd.scan.msk.f32 $0xffff, v11;
	v12 =	vadd.f32 v12, v52;
	_ =	sdelay $0x1  }
0x40: {  	(xrf0) =	vmax.scan.msk.f32 $0xffff, v12;
	_ =	sdelay $0x4  }
0x41: {  	v54 =	vld [tilespmem:$0x19100]  }
0x42: {  	v57 =	vld [tilespmem:$0x19110];
	[tilespmem:$0x19181] =	vst v10;
	v53, _, _ =	vpop (xrf0)  }
0x43: {  	v15 =	vld [tilespmem:$0x19120];
	[tilespmem:$0x19191] =	vst v8;
	v8 =	vbroadcast v53, $0xF  }
0x44: {  	v10 =	vld [tilespmem:$0x19180];
	v56, _, _ =	vpop (xrf2)  }
0x45: {  	v59 =	vld [tilespmem:$0x19130];
	v8 =	vadd.f32 v8, v56  }
0x46: {  	v55 =	vld [tilespmem:$0x19190];
	[tilespmem:$0x191A1] =	vst v12  }
0x47: {  	v58 =	vld [tilespmem:$0x191A0];
	[tilespmem:$0x191B1] =	vst v8  }
0x48: {  	v16 =	vld [tilespmem:$0x191B0]  }
0x49: {  	vm2 =	vmmov $0x1;
	v5 =	vadd.f32 v54, v5;
	vm1 =	vlt.f32 v10, $8.999999760e-01  }
0x4a: {  	v6 =	vadd.f32 v57, v6;
	vm1 =	vmor vm1, vm2  }
0x4b: {  	v7 =	vadd.f32 v15, v7;
	v5 =	vnsel vm1, $0xFF800000, v5;
	vm1 =	vlt.f32 v55, $8.999999760e-01  }
0x4c: {  	v6 =	vnsel vm1, $0xFF800000, v6;
	(xrf0) =	vmax.scan.msk.f32 $0xffff, v5;
	vm1 =	vlt.f32 v58, $8.999999760e-01;
	v8 =	vadd.f32 v59, v9  }
0x4d: {  	(xrf0) =	vmax.scan.msk.f32 $0xffff, v6;
	v7 =	vnsel vm1, $0xFF800000, v7;
	vm1 =	vlt.f32 v16, $8.999999760e-01  }
0x4e: {  	(xrf0) =	vmax.scan.msk.f32 $0xffff, v7;
	v8 =	vnsel vm1, $0xFF800000, v8  }
0x4f: {  	(xrf0) =	vmax.scan.msk.f32 $0xffff, v8;
	_ =	sdelay $0x2  }
0x50: {  	v60, _, _ =	vpop (xrf0)  }
0x51: {  	(v2sf) =	vpush v60, $0xF;
	v61, _, _ =	vpop (xrf0)  }
0x52: {  	(v2sf) =	vpush v61, $0xF;
	v62, _, _ =	vpop (xrf0)  }
0x53: {  	(v2sf) =	vpush v62, $0xF;
	v63, _, _ =	vpop (xrf0)  }
0x54: {  	(v2sf) =	vpush v63, $0xF;
	_ =	sdelay $0xb  }
0x55: {  	s18 =	spop (v2sf)  }
0x56: {  	s19 =	spop (v2sf)  }
0x57: {  	s18 =	smax.f32 s18, s19;
	s23 =	spop (v2sf)  }
0x58: {  	s18 =	smax.f32 s18, s23;
	s24 =	spop (v2sf)  }
0x59: {  	s18 =	smax.f32 s18, s24  }
0x5a: {  	vm1 =	veq.f32 v5, s18  }
0x5b: {  	v5 =	vmctz.xlane vm1;
	_ =	sdelay $0x1  }
0x5c: {  	vm1 =	veq.f32 v6, s18;
	v5 =	vxor.u32 $0x80000000, v5  }
0x5d: {  	(xrf0) =	vmin.scan.msk.u32 $0xffff, v5;
	v5 =	vmctz.xlane vm1;
	_ =	sdelay $0x1  }
0x5e: {  	vm1 =	veq.f32 v7, s18;
	v5 =	vxor.u32 $0x80000000, v5  }
0x5f: {  	(xrf0) =	vmin.scan.msk.u32 $0xffff, v5;
	v5 =	vmctz.xlane vm1  }
0x60: {  	vm1 =	veq.f32 v8, s18  }
0x61: {  	v6 =	vmctz.xlane vm1;
	v5 =	vxor.u32 $0x80000000, v5  }
0x62: {  	(xrf0) =	vmin.scan.msk.u32 $0xffff, v5  }
0x63: {  	v7, _, _ =	vpop (xrf0);
	v5 =	vxor.u32 $0x80000000, v6  }
0x64: {  	(v2sf) =	vpush v7, $0xF;
	(xrf0) =	vmin.scan.msk.u32 $0xffff, v5;
	_ =	sdelay $0x1  }
0x65: {  	v5, _, _ =	vpop (xrf0)  }
0x66: {  	(v2sf) =	vpush v5, $0xF  }
0x67: {  	v5, _, _ =	vpop (xrf0)  }
0x68: {  	(v2sf) =	vpush v5, $0xF  }
0x69: {  	v5, _, _ =	vpop (xrf0)  }
0x6a: {  	(v2sf) =	vpush v5, $0xF;
	_ =	sdelay $0x7  }
0x6b: {  	s25 =	spop (v2sf)  }
0x6c: {  	s18 =	sxor.u32 $0x80000000, s25  }
0x6d: {  	p1 =	slt.s32 s18, $0x270F  }
0x6e: {  	p0 =	slt.s32 s18, $0x10;
	s26 =	spop (v2sf);
	s18 =	simm.s32 @!p1 $0x270F  }
0x6f: {  	s18 =	simm.s32 @!p0 $0x270F;
	s20 =	sadd.s32 $0x80000010, s26  }
0x70: {  	p1 =	slt.u32 s26, $0x80000010;
	p0 =	slt.s32 s18, s20;
	s28 =	spop (v2sf)  }
0x71: {  	s20 =	smov.u32 @p0 s18;
	p0 =	slt.u32 s28, $0x80000010;
	s19 =	sadd.s32 $0x80000020, s28  }
0x72: {  	s18 =	smov.u32 @p1 s20;
	s29 =	spop (v2sf);
	s19 =	simm.s32 @!p0 $0x270F  }
0x73: {  	p1 =	slt.u32 s29, $0x80000010;
	s20 =	sadd.s32 $0x80000030, s29;
	p0 =	slt.s32 s18, s19  }
0x74: {  	s20 =	simm.s32 @!p1 $0x270F;
	s19 =	smov.u32 @p0 s18  }
0x75: {  	p0 =	slt.s32 s19, s20  }
0x76: {  	s20 =	smov.u32 @p0 s19  }
0x77: {  	s30 =	sand.u32 $0xF, s20  }
0x78: {  	s19 =	sshra.s32 s20, $0x1F;
	p0 =	slt.s32 s20, $0x1;
	p6 =	sne.s32 s30, $0x0  }
0x79: {  	s31 =	sshrl.u32 s19, $0x1C;
	p0 =	por !p0, !p6  }
0x7a: {  	s19 =	simm.s32 $0x1;
	s18 =	sadd.s32 s31, s20;
	p0 =	por !p0, !p0  }
0x7b: {  	s18 =	sshrl.u32 s18, $0x4;
	s19 =	simm.s32 @!p0 $0x0  }
0x7c: {  	s18 =	ssub.s32 s18, s19  }
0x7d: {  	s18 =	sshll.u32 s18, $0x4  }
0x7e: {  	v5 =	vld [tilespmem:s18+$0x19080];
	_ =	sdelay $0x3  }
0x7f: {  	s18 =	ssub.s32 s20, s18  }
0x80: {  	v6 =	vmov s18;
	v5 =	vmul.f32 v5, v2  }
0x81: {  	vm1 =	veq.s32 v6, v3  }
0x82: {  	v5 =	vnsel vm1, $0xFF800000, v5  }
0x83: {  	(xrf0) =	vmax.scan.msk.f32 $0xffff, v5;
	_ =	sdelay $0x3  }
0x84: {  	v7 =	vmov s17;
	s17 =	sadd.s32 $0x1, s17;
	v5 =	vld [tilespmem:$0x19200]  }
0x85: {  	p0 =	sne.s32 s17, $0x4  }
.Ltmp3:
0x86: {  	v6, _, _ =	vpop (xrf0);
	(pc) =	sbr.rel @!p0 .LBB2_19-.Ltmp3, $4  }
0x87: {  	v6 =	vbroadcast v6, $0xF  }
0x88: {  	vm1 =	veq.s32 v7, v3  }
0x89: {  	v5 =	vsel vm1, v6, v5  }
0x8a: {  	[tilespmem:$0x19200] =	vst v5  }
.LBB2_2:
0x8b: {  	s18 =	sshll.u32 s17, $0x7  }
0x8c: {  	s19 =	sadd.s32 s6, s18  }
0x8d: {  	s18 =	sadd.s32 s5, s19  }
0x8e: {  	s18 =	sshrl.u32 s18, $0x3  }
0x8f: {  	s20 =	sadd.s32 s2, s18;
	s18 =	simm.s32 $0x0  }
0x90: {  	[tilespmem:s18], [sflag:$0x1] =	stream.strided.gather [hbm4b:s20+s10], $0x18700, s11, s10, $0x38;
	[tilespmem:$0x19280] =	vst v63  }
0x91: {  	s19 =	sadd.s32 s7, s19;
	_ =	swait.ge [sflag:s12], $0x18700  }
0x92: {  	s19 =	sshrl.u32 s19, $0x3;
	[sflag:s12] =	ssyncset.done $0x0  }
0x93: {  	s19 =	sadd.s32 s4, s19;
	[sflag:s12] =	ssyncadd.s32 $0xFFFE7900  }
0x94: {  	[tilespmem:s13], [sflag:$0x1] =	stream.linear.gather [hbm4b:s19+s18], $0x80, $0x38;
	[tilespmem:$0x19280] =	vst v63  }
0x95: {  	_ =	swait.ge [sflag:s12], $0x80  }
0x96: {  	[sflag:s12] =	ssyncset.done $0x0  }
0x97: {  	[sflag:s12] =	ssyncadd.s32 $0xFFFFFF80  }
0x98: {  	s19 =	simm.s32 $0xC0;
	[tilespmem:$0x18FF0] =	vst v1  }
0x99: {  	v5 =	vld [tilespmem:s19+$0xFFFFFF50]  }
0x9a: {  	v6 =	vld [tilespmem:s19+$0xFFFFFF40]  }
0x9b: {  	v7 =	vld [tilespmem:s19+$0xFFFFFF60]  }
0x9c: {  	v8 =	vld [tilespmem:s19+$0xFFFFFF70]  }
0x9d: {  	v9 =	vld [tilespmem:s19+$0xFFFFFF80]  }
0x9e: {  	v10 =	vld [tilespmem:s19+$0xFFFFFF90]  }
0x9f: {  	v11 =	vld [tilespmem:s19+$0xFFFFFFA0]  }
0xa0: {  	s22 =	sand.u32 $0x1FFF0, s18;
	v12 =	vld [tilespmem:s19+$0xFFFFFFB0]  }
0xa1: {  	v14 =	vld [tilespmem:s22+$0x80]  }
0xa2: {  	v17 =	vld [tilespmem:s19+$0xFFFFFFD0]  }
0xa3: {  	v18 =	vld [tilespmem:s19+$0xFFFFFFE0]  }
0xa4: {  	v21 =	vld [tilespmem:s19+$0xFFFFFFF0]  }
0xa5: {  	v13 =	vld [tilespmem:s19+$0x0]  }
0xa6: {  	v15 =	vld [tilespmem:s19+$0x10]  }
0xa7: {  	v16 =	vld [tilespmem:s19+$0x20]  }
0xa8: {  	v19 =	vld [tilespmem:s19+$0x30]  }
0xa9: {  	v20 =	vld [tilespmem:s22+$0x100]  }
0xaa: {  	v22 =	vld [tilespmem:s19+$0x50]  }
0xab: {  	v23 =	vld [tilespmem:s19+$0x60]  }
0xac: {  	v24 =	vld [tilespmem:s19+$0x70]  }
0xad: {  	v25 =	vld [tilespmem:s19+$0x80]  }
0xae: {  	v26 =	vld [tilespmem:s19+$0x90]  }
0xaf: {  	s21 =	simm.s32 $0x0;
	s20 =	simm.s32 $0x1;
	v27 =	vld [tilespmem:s19+$0xA0]  }
.LBB2_3:
0xb0: {  	p0 =	sne.s32 s20, $0xF9;
	v28 =	vld [tilespmem:s19+$0xB0]  }
0xb1: {  	v5 =	vmax.f32 v6, v5;
	v6 =	vmax.f32 v7, v8;
	v7 =	vmax.f32 v9, v10  }
0xb2: {  	v8 =	vmax.f32 v11, v12;
	v9 =	vmax.f32 v14, v17;
	v10 =	vmax.f32 v18, v21  }
0xb3: {  	v5 =	vmax.f32 v5, v6;
	v6 =	vmax.f32 v7, v8;
	v7 =	vmax.f32 v9, v10;
	v11 =	vld [tilespmem:s22+$0x180]  }
0xb4: {  	v8 =	vmax.f32 v13, v15;
	v9 =	vmax.f32 v16, v19;
	v10 =	vmax.f32 v20, v22  }
0xb5: {  	v12 =	vmax.f32 v23, v24;
	v13 =	vmax.f32 v25, v26;
	v14 =	vmax.f32 v27, v28  }
0xb6: {  	v8 =	vmax.f32 v8, v9;
	v9 =	vmax.f32 v10, v12;
	v10 =	vmax.f32 v13, v14  }
0xb7: {  	v5 =	vmax.f32 v5, v6;
	v6 =	vmax.f32 v7, v8;
	v7 =	vmax.f32 v9, v10  }
0xb8: {  	v5 =	vmax.f32 v5, v6;
	v6 =	vmax.f32 v7, v11  }
0xb9: {  	v5 =	vmax.f32 v5, v6  }
0xba: {  	(xrf0) =	vmax.scan.msk.f32 $0xffff, v5;
	_ =	sdelay $0x2  }
0xbb: {  	s22 =	sand.u32 $0xF0, s18  }
0xbc: {  	v5 =	vld [tilespmem:s22+$0x18F00];
	_ =	sdelay $0x1  }
0xbd: {  	s23 =	sand.u32 $0xF, s18;
	s18 =	smov.u32 s20;
	v6, _, _ =	vpop (xrf0)  }
0xbe: {  	v7 =	vmov s23;
	v6 =	vbroadcast v6, $0xF  }
0xbf: {  	vm1 =	veq.s32 v7, v3  }
0xc0: {  	v5 =	vsel vm1, v6, v5  }
0xc1: {  	s19 =	sadd.s32 $0x190, s19;
	[tilespmem:s22+$0x18F00] =	vst v5  }
0xc2: {  	v5 =	vld [tilespmem:s19+$0xFFFFFF50]  }
0xc3: {  	v6 =	vld [tilespmem:s19+$0xFFFFFF40]  }
0xc4: {  	v7 =	vld [tilespmem:s19+$0xFFFFFF60]  }
0xc5: {  	v8 =	vld [tilespmem:s19+$0xFFFFFF70]  }
0xc6: {  	v9 =	vld [tilespmem:s19+$0xFFFFFF80]  }
0xc7: {  	v10 =	vld [tilespmem:s19+$0xFFFFFF90]  }
0xc8: {  	s21 =	sadd.s32 $0x190, s21;
	v11 =	vld [tilespmem:s19+$0xFFFFFFA0]  }
0xc9: {  	s22 =	sand.u32 $0x1FFF0, s21;
	v12 =	vld [tilespmem:s19+$0xFFFFFFB0]  }
0xca: {  	v14 =	vld [tilespmem:s22+$0x80]  }
0xcb: {  	v17 =	vld [tilespmem:s19+$0xFFFFFFD0]  }
0xcc: {  	v18 =	vld [tilespmem:s19+$0xFFFFFFE0]  }
0xcd: {  	v21 =	vld [tilespmem:s19+$0xFFFFFFF0]  }
0xce: {  	v13 =	vld [tilespmem:s19+$0x0]  }
0xcf: {  	v15 =	vld [tilespmem:s19+$0x10]  }
0xd0: {  	v16 =	vld [tilespmem:s19+$0x20]  }
0xd1: {  	v19 =	vld [tilespmem:s19+$0x30]  }
0xd2: {  	v20 =	vld [tilespmem:s22+$0x100]  }
0xd3: {  	v22 =	vld [tilespmem:s19+$0x50]  }
.Ltmp4:
0xd4: {  	v23 =	vld [tilespmem:s19+$0x60];
	(pc) =	sbr.rel @p0 .LBB2_3-.Ltmp4, $4  }
0xd5: {  	v24 =	vld [tilespmem:s19+$0x70]  }
0xd6: {  	v25 =	vld [tilespmem:s19+$0x80]  }
0xd7: {  	v26 =	vld [tilespmem:s19+$0x90]  }
0xd8: {  	s20 =	sadd.s32 $0x1, s20;
	v27 =	vld [tilespmem:s19+$0xA0]  }
0xd9: {  	v28 =	vld [tilespmem:s19+$0xB0]  }
0xda: {  	v5 =	vmax.f32 v6, v5;
	v6 =	vmax.f32 v7, v8;
	v7 =	vmax.f32 v9, v10  }
0xdb: {  	v8 =	vmax.f32 v11, v12;
	v9 =	vmax.f32 v14, v17;
	v10 =	vmax.f32 v18, v21  }
0xdc: {  	v11 =	vld [tilespmem:s22+$0x180];
	v5 =	vmax.f32 v5, v6;
	v6 =	vmax.f32 v7, v8;
	v7 =	vmax.f32 v9, v10  }
0xdd: {  	v8 =	vmax.f32 v13, v15;
	v9 =	vmax.f32 v16, v19;
	v10 =	vmax.f32 v20, v22  }
0xde: {  	v12 =	vmax.f32 v23, v24;
	v13 =	vmax.f32 v25, v26;
	v14 =	vmax.f32 v27, v28  }
0xdf: {  	v8 =	vmax.f32 v8, v9;
	v9 =	vmax.f32 v10, v12;
	v10 =	vmax.f32 v13, v14  }
0xe0: {  	v5 =	vmax.f32 v5, v6;
	v6 =	vmax.f32 v7, v8;
	v7 =	vmax.f32 v9, v10  }
0xe1: {  	v5 =	vmax.f32 v5, v6;
	v6 =	vmax.f32 v7, v11  }
0xe2: {  	v5 =	vmax.f32 v5, v6  }
0xe3: {  	(xrf0) =	vmax.scan.msk.f32 $0xffff, v5;
	_ =	sdelay $0x2  }
0xe4: {  	s30 =	sand.u32 $0xF0, s18  }
0xe5: {  	v5 =	vld [tilespmem:s30+$0x18F00];
	_ =	sdelay $0x1  }
0xe6: {  	s31 =	sand.u32 $0xF, s18;
	v6, _, _ =	vpop (xrf0)  }
0xe7: {  	v7 =	vmov s31;
	v6 =	vbroadcast v6, $0xF  }
0xe8: {  	vm1 =	veq.s32 v7, v3  }
0xe9: {  	v5 =	vsel vm1, v6, v5  }
0xea: {  	[tilespmem:s30+$0x18F00] =	vst v5  }
0xeb: {  	v6 =	vld [tilespmem:$0x18F00]  }
0xec: {  	v7 =	vld [tilespmem:$0x18F10]  }
0xed: {  	v8 =	vld [tilespmem:$0x18F20]  }
0xee: {  	v9 =	vld [tilespmem:$0x18F30]  }
0xef: {  	v10 =	vld [tilespmem:$0x18F40]  }
0xf0: {  	v11 =	vld [tilespmem:$0x18F50]  }
0xf1: {  	v12 =	vld [tilespmem:$0x18F60]  }
0xf2: {  	v13 =	vld [tilespmem:$0x18F70]  }
0xf3: {  	v14 =	vld [tilespmem:$0x18F80]  }
0xf4: {  	v15 =	vld [tilespmem:$0x18F90]  }
0xf5: {  	v16 =	vld [tilespmem:$0x18FA0]  }
0xf6: {  	v17 =	vld [tilespmem:$0x18FB0]  }
0xf7: {  	v18 =	vld [tilespmem:$0x18FC0]  }
0xf8: {  	v19 =	vld [tilespmem:$0x18FD0]  }
0xf9: {  	v20 =	vld [tilespmem:$0x18FE0]  }
0xfa: {  	v21 =	vld [tilespmem:$0x18FF0];
	_ =	sdelay $0x1  }
0xfb: {  	s18 =	simm.s32 $0x0;
	s19 =	simm.s32 $0x0  }
.LBB2_5:
0xfc: {  	v5 =	vmax.f32 v6, v7;
	v22 =	vmax.f32 v8, v9;
	v23 =	vmax.f32 v10, v11  }
0xfd: {  	v24 =	vmax.f32 v12, v13;
	v25 =	vmax.f32 v14, v15;
	v26 =	vmax.f32 v16, v17  }
0xfe: {  	v27 =	vmax.f32 v18, v19;
	v28 =	vmax.f32 v20, v21;
	v5 =	vmax.f32 v5, v22  }
0xff: {  	v22 =	vmax.f32 v23, v24;
	v23 =	vmax.f32 v25, v26;
	v48 =	vmax.f32 v27, v28  }
0x100: {  	v5 =	vmax.f32 v5, v22;
	v22 =	vmax.f32 v23, v48  }
0x101: {  	v5 =	vmax.f32 v5, v22  }
0x102: {  	(xrf0) =	vmax.scan.msk.f32 $0xffff, v5;
	_ =	sdelay $0x5  }
0x103: {  	v5, _, _ =	vpop (xrf0)  }
0x104: {  	v5 =	vbroadcast v5, $0xF;
	_ =	sdelay $0x1  }
0x105: {  	vm1 =	veq.f32 v6, v5;
	vm4 =	veq.f32 v8, v5  }
0x106: {  	vm9 =	veq.f32 v9, v5;
	vm12 =	veq.f32 v10, v5;
	vm14 =	veq.f32 v11, v5  }
0x107: {  	vm15 =	veq.f32 v12, v5;
	vm7 =	veq.f32 v20, v5;
	v22 =	vmctz.xlane vm1  }
0x108: {  	vm1 =	veq.f32 v7, v5;
	v49 =	vmctz.xlane vm4;
	v50 =	vmctz.xlane vm12  }
0x109: {  	v51 =	vmctz.xlane vm14;
	vm14 =	veq.f32 v15, v5;
	v58 =	vmctz.xlane vm7  }
0x10a: {  	v23 =	vmctz.xlane vm1;
	vm1 =	veq.s32 v22, v3;
	vm2 =	vlt.s32 v22, $0x10  }
0x10b: {  	v24 =	vadd.s32 $0x20, v49;
	vm13 =	vne.s32 v50, v3;
	vm7 =	vlt.s32 v58, $0x10  }
0x10c: {  	v61 =	vadd.s32 $0xE0, v58;
	v6 =	vsel vm1, $0xFF800000, v6;
	vm3 =	vne.s32 v23, v3  }
0x10d: {  	vm1 =	vlt.s32 v23, $0x10;
	v23 =	vadd.s32 $0x10, v23;
	vm3 =	vmor vm2, vm3  }
0x10e: {  	v23 =	vnsel vm1, $0x0, v23;
	vm1 =	vmor vm2, vm1;
	v7 =	vnsel vm3, $0xFF800000, v7  }
0x10f: {  	v22 =	vsel vm2, v22, v23;
	vm2 =	vlt.s32 v49, $0x10;
	vm3 =	vne.s32 v49, v3  }
0x110: {  	vm5 =	vmneg vm1;
	v23 =	vmctz.xlane vm9;
	vm3 =	vmor vm3, vm1  }
0x111: {  	vm10 =	vmand vm2, vm5;
	vm1 =	vmor vm1, vm2;
	v8 =	vnsel vm3, $0xFF800000, v8  }
0x112: {  	v22 =	vsel vm10, v24, v22;
	vm2 =	vlt.s32 v23, $0x10;
	vm3 =	vmneg vm1  }
0x113: {  	vm11 =	vne.s32 v23, v3;
	v23 =	vadd.s32 $0x30, v23;
	v24 =	vadd.s32 $0x50, v51  }
0x114: {  	vm3 =	vmand vm2, vm3;
	vm4 =	vmor vm11, vm1;
	vm1 =	vmor vm1, vm2  }
0x115: {  	vm2 =	vlt.s32 v50, $0x10;
	vm11 =	veq.f32 v13, v5;
	v9 =	vnsel vm4, $0xFF800000, v9  }
0x116: {  	v22 =	vsel vm3, v23, v22;
	vm3 =	vmneg vm1;
	vm4 =	vmor vm13, vm1  }
0x117: {  	v23 =	vadd.s32 $0x40, v50;
	vm1 =	vmor vm1, vm2;
	v52 =	vmctz.xlane vm11  }
0x118: {  	vm13 =	veq.f32 v14, v5;
	vm3 =	vmand vm2, vm3;
	v10 =	vnsel vm4, $0xFF800000, v10  }
0x119: {  	vm2 =	vlt.s32 v51, $0x10;
	vm8 =	vmneg vm1;
	v53 =	vmctz.xlane vm13  }
0x11a: {  	vm13 =	veq.f32 v18, v5;
	v22 =	vsel vm3, v23, v22;
	vm3 =	vne.s32 v51, v3  }
0x11b: {  	v23 =	vmctz.xlane vm15;
	vm9 =	vmand vm2, vm8;
	vm12 =	vne.s32 v52, v3  }
0x11c: {  	v56 =	vmctz.xlane vm13;
	vm3 =	vmor vm3, vm1;
	v22 =	vsel vm9, v24, v22  }
0x11d: {  	vm1 =	vmor vm1, vm2;
	v24 =	vadd.s32 $0x80, v53;
	v11 =	vnsel vm3, $0xFF800000, v11  }
0x11e: {  	vm2 =	vlt.s32 v23, $0x10;
	vm3 =	vmneg vm1;
	vm10 =	vne.s32 v23, v3  }
0x11f: {  	v23 =	vadd.s32 $0x60, v23;
	v57 =	vadd.s32 $0xC0, v56;
	vm13 =	vne.s32 v56, v3  }
0x120: {  	vm3 =	vmand vm2, vm3;
	vm4 =	vmor vm10, vm1;
	vm1 =	vmor vm1, vm2  }
0x121: {  	vm2 =	vlt.s32 v52, $0x10;
	vm10 =	veq.f32 v16, v5;
	v12 =	vnsel vm4, $0xFF800000, v12  }
0x122: {  	v22 =	vsel vm3, v23, v22;
	vm3 =	vmneg vm1;
	vm4 =	vmor vm12, vm1  }
0x123: {  	v23 =	vadd.s32 $0x70, v52;
	vm1 =	vmor vm1, vm2;
	v54 =	vmctz.xlane vm10  }
0x124: {  	vm12 =	veq.f32 v17, v5;
	vm3 =	vmand vm2, vm3;
	v13 =	vnsel vm4, $0xFF800000, v13  }
0x125: {  	vm2 =	vlt.s32 v53, $0x10;
	vm15 =	vmneg vm1;
	v55 =	vmctz.xlane vm12  }
0x126: {  	v22 =	vsel vm3, v23, v22;
	vm3 =	vne.s32 v53, v3;
	v23 =	vmctz.xlane vm14  }
0x127: {  	vm8 =	vmand vm2, vm15;
	vm11 =	vne.s32 v54, v3;
	vm3 =	vmor vm3, vm1  }
0x128: {  	v22 =	vsel vm8, v24, v22;
	vm1 =	vmor vm1, vm2;
	vm12 =	vne.s32 v55, v3  }
0x129: {  	v14 =	vnsel vm3, $0xFF800000, v14;
	vm2 =	vlt.s32 v23, $0x10;
	vm3 =	vmneg vm1  }
0x12a: {  	vm9 =	vne.s32 v23, v3;
	v23 =	vadd.s32 $0x90, v23;
	vm3 =	vmand vm2, vm3  }
0x12b: {  	vm4 =	vmor vm9, vm1;
	vm1 =	vmor vm1, vm2;
	vm2 =	vlt.s32 v54, $0x10  }
0x12c: {  	vm9 =	veq.f32 v21, v5;
	v15 =	vnsel vm4, $0xFF800000, v15;
	v22 =	vsel vm3, v23, v22  }
0x12d: {  	vm3 =	vmneg vm1;
	vm4 =	vmor vm11, vm1;
	v23 =	vadd.s32 $0xA0, v54  }
0x12e: {  	vm1 =	vmor vm1, vm2;
	v60 =	vmctz.xlane vm9;
	vm3 =	vmand vm2, vm3  }
0x12f: {  	v16 =	vnsel vm4, $0xFF800000, v16;
	vm2 =	vlt.s32 v55, $0x10;
	vm4 =	vlt.s32 v56, $0x10  }
0x130: {  	v22 =	vsel vm3, v23, v22;
	vm3 =	vmneg vm1;
	v23 =	vadd.s32 $0xB0, v55  }
0x131: {  	vm11 =	vgt.s32 v60, $0xF;
	v62 =	vadd.s32 $0xF0, v60;
	vm3 =	vmand vm2, vm3  }
0x132: {  	vm2 =	vmor vm1, vm2;
	v22 =	vsel vm3, v23, v22;
	vm3 =	veq.f32 v19, v5  }
0x133: {  	vm1 =	vmor vm12, vm1;
	vm14 =	vmneg vm2;
	v23 =	vmctz.xlane vm3  }
0x134: {  	v17 =	vnsel vm1, $0xFF800000, v17;
	vm1 =	vmor vm13, vm2;
	vm3 =	vmand vm4, vm14  }
0x135: {  	vm4 =	vmor vm2, vm4;
	v18 =	vnsel vm1, $0xFF800000, v18;
	vm15 =	vlt.s32 v23, $0x10  }
0x136: {  	s20 =	sand.u32 $0x30, s19;
	vm6 =	vmneg vm4;
	v22 =	vsel vm3, v57, v22;
	vm5 =	vmor vm4, vm15  }
0x137: {  	v63 =	vld [tilespmem:s20+$0x19000];
	v59 =	vadd.s32 $0xD0, v23;
	vm3 =	vmand vm15, vm6;
	vm10 =	vmneg vm5  }
0x138: {  	p0 =	sne.s32 s19, $0x31;
	vm14 =	vne.s32 v60, v3;
	v22 =	vsel vm3, v59, v22;
	vm3 =	vmand vm7, vm10  }
.Ltmp5:
0x139: {  	s21 =	sand.u32 $0xF, s19;
	vm2 =	vne.s32 v23, v3;
	v22 =	vsel vm3, v61, v22;
	vm3 =	vmor vm5, vm7;
	(pc) =	sbr.rel @p0 .LBB2_5-.Ltmp5, $4  }
0x13a: {  	v23 =	vmov s21;
	vm1 =	vmor vm2, vm4;
	vm6 =	vmor vm11, vm3  }
0x13b: {  	vm2 =	vne.s32 v58, v3;
	vm15 =	veq.s32 v23, v3;
	v22 =	vsel vm6, v22, v62  }
0x13c: {  	vm2 =	vmor vm2, vm5;
	vm3 =	vmor vm14, vm3;
	v22 =	vsel vm15, v22, v63  }
0x13d: {  	s19 =	sadd.s32 $0x1, s19;
	v19 =	vnsel vm1, $0xFF800000, v19;
	v20 =	vnsel vm2, $0xFF800000, v20;
	v21 =	vnsel vm3, $0xFF800000, v21;
	[tilespmem:s20+$0x19000] =	vst v22  }
0x13e: {  	v6 =	vimm.s32 $0x0  }
.LBB2_7:
0x13f: {  	s19 =	sand.u32 $0x30, s18  }
0x140: {  	v7 =	vld [tilespmem:s19+$0x19000];
	_ =	sdelay $0x2  }
0x141: {  	s30 =	sand.u32 $0xF, s18  }
0x142: {  	v8 =	vmov s30  }
0x143: {  	vm1 =	veq.s32 v8, v3;
	v7 =	vxor.u32 $0x80000000, v7  }
0x144: {  	v7 =	vnsel vm1, $0x80000000, v7  }
0x145: {  	(xrf0) =	vmax.scan.msk.u32 $0xffff, v7;
	_ =	sdelay $0x5  }
0x146: {  	v7, _, _ =	vpop (xrf0)  }
0x147: {  	(v2sf) =	vpush v7, $0xF;
	_ =	sdelay $0xe  }
0x148: {  	s31 =	spop (v2sf)  }
0x149: {  	s19 =	smul.u32 $0x190, s31;
	_ =	sdelay $0x1  }
0x14a: {  	v7 =	vld [tilespmem:s19+$0x0]  }
0x14b: {  	v8 =	vld [tilespmem:s19+$0x10]  }
0x14c: {  	v9 =	vld [tilespmem:s19+$0x20];
	_ =	sdelay $0x2  }
0x14d: {  	vm1 =	vge.f32 v7, v5  }
0x14e: {  	vm3 =	vge.f32 v8, v5;
	v10 =	vsel vm1, $0x1, v4  }
0x14f: {  	vm2 =	vge.f32 v9, v5;
	v59 =	vsel vm3, $0x1, v4;
	(xrf0) =	vadd.scan.msk.s32 $0xffff, v10  }
0x150: {  	v60 =	vsel vm2, $0x1, v4;
	(xrf0) =	vadd.scan.msk.s32 $0xffff, v59  }
0x151: {  	(xrf0) =	vadd.scan.msk.s32 $0xffff, v60;
	_ =	sdelay $0x1  }
0x152: {  	v61 =	vmpcnt.ones.xlane vm1  }
0x153: {  	v11 =	vsel vm1, $0xFFFFFFFF, v4;
	v12 =	vsel vm3, $0xFFFFFFFF, v4;
	v13 =	vmpcnt.ones.xlane vm3  }
0x154: {  	v15 =	vsel vm2, $0xFFFFFFFF, v4;
	v11 =	vadd.s32 v11, v6;
	v6 =	vadd.s32 v6, v61;
	v14, _, _ =	vpop (xrf0)  }
0x155: {  	v12 =	vadd.s32 v12, v6;
	v6 =	vadd.s32 v6, v13;
	v62, _, _ =	vpop (xrf0);
	v11 =	vadd.s32 v14, v11  }
0x156: {  	v16 =	vadd.s32 v15, v6;
	v63, _, _ =	vpop (xrf0);
	vm4 =	vlt.s32 v11, $0x7FF;
	v10 =	vadd.s32 v62, v12  }
0x157: {  	v11 =	vnsel vm4, $0x7FF, v11;
	vm15 =	vlt.s32 v10, $0x7FF;
	v12 =	vadd.s32 v63, v16  }
0x158: {  	v10 =	vnsel vm15, $0x7FF, v10;
	vm8 =	vlt.s32 v12, $0x7FF  }
0x159: {  	v12 =	vnsel vm8, $0x7FF, v12;
	_ =	sdelay $0x2  }
0x15a: {  	[tilespmem:v11+s14+$0x0] =	vst.idx.msk vm1, v7  }
0x15b: {  	[tilespmem:v10+s14+$0x0] =	vst.idx.msk vm3, v8  }
0x15c: {  	[tilespmem:v12+s14+$0x0] =	vst.idx.msk vm2, v9  }
0x15d: {  	v7 =	vld [tilespmem:s19+$0x30]  }
0x15e: {  	v8 =	vld [tilespmem:s19+$0x40]  }
0x15f: {  	v9 =	vld [tilespmem:s19+$0x50];
	_ =	sdelay $0x2  }
0x160: {  	vm3 =	vge.f32 v7, v5  }
0x161: {  	vm9 =	vge.f32 v8, v5;
	v17 =	vsel vm3, $0x1, v4  }
0x162: {  	vm1 =	vge.f32 v9, v5;
	v18 =	vsel vm9, $0x1, v4;
	(xrf0) =	vadd.scan.msk.s32 $0xffff, v17  }
0x163: {  	v19 =	vsel vm1, $0x1, v4;
	(xrf0) =	vadd.scan.msk.s32 $0xffff, v18  }
0x164: {  	v20 =	vmpcnt.ones.xlane vm2;
	(xrf0) =	vadd.scan.msk.s32 $0xffff, v19;
	_ =	sdelay $0x1  }
0x165: {  	v6 =	vadd.s32 v6, v20;
	v21 =	vmpcnt.ones.xlane vm3  }
0x166: {  	v22 =	vsel vm3, $0xFFFFFFFF, v4;
	v23 =	vsel vm9, $0xFFFFFFFF, v4;
	v24 =	vmpcnt.ones.xlane vm9  }
0x167: {  	v26 =	vsel vm1, $0xFFFFFFFF, v4;
	v11 =	vadd.s32 v22, v6;
	v6 =	vadd.s32 v6, v21;
	v25, _, _ =	vpop (xrf0)  }
0x168: {  	v12 =	vadd.s32 v23, v6;
	v6 =	vadd.s32 v6, v24;
	v27, _, _ =	vpop (xrf0);
	v11 =	vadd.s32 v25, v11  }
0x169: {  	v29 =	vadd.s32 v26, v6;
	v28, _, _ =	vpop (xrf0);
	vm2 =	vlt.s32 v11, $0x7FF;
	v10 =	vadd.s32 v27, v12  }
0x16a: {  	v11 =	vnsel vm2, $0x7FF, v11;
	vm2 =	vlt.s32 v10, $0x7FF;
	v12 =	vadd.s32 v28, v29  }
0x16b: {  	v10 =	vnsel vm2, $0x7FF, v10;
	vm2 =	vlt.s32 v12, $0x7FF  }
0x16c: {  	v12 =	vnsel vm2, $0x7FF, v12;
	_ =	sdelay $0x2  }
0x16d: {  	[tilespmem:v11+s14+$0x0] =	vst.idx.msk vm3, v7  }
0x16e: {  	[tilespmem:v10+s14+$0x0] =	vst.idx.msk vm9, v8  }
0x16f: {  	[tilespmem:v12+s14+$0x0] =	vst.idx.msk vm1, v9  }
0x170: {  	v7 =	vld [tilespmem:s19+$0x60]  }
0x171: {  	v8 =	vld [tilespmem:s19+$0x70]  }
0x172: {  	v9 =	vld [tilespmem:s19+$0x80];
	_ =	sdelay $0x2  }
0x173: {  	vm3 =	vge.f32 v7, v5  }
0x174: {  	vm10 =	vge.f32 v8, v5;
	v30 =	vsel vm3, $0x1, v4  }
0x175: {  	vm2 =	vge.f32 v9, v5;
	v31 =	vsel vm10, $0x1, v4;
	(xrf0) =	vadd.scan.msk.s32 $0xffff, v30  }
0x176: {  	v32 =	vsel vm2, $0x1, v4;
	(xrf0) =	vadd.scan.msk.s32 $0xffff, v31  }
0x177: {  	v33 =	vmpcnt.ones.xlane vm1;
	(xrf0) =	vadd.scan.msk.s32 $0xffff, v32;
	_ =	sdelay $0x1  }
0x178: {  	v6 =	vadd.s32 v6, v33;
	v34 =	vmpcnt.ones.xlane vm3  }
0x179: {  	v35 =	vsel vm3, $0xFFFFFFFF, v4;
	v36 =	vsel vm10, $0xFFFFFFFF, v4;
	v37 =	vmpcnt.ones.xlane vm10  }
0x17a: {  	v39 =	vsel vm2, $0xFFFFFFFF, v4;
	v11 =	vadd.s32 v35, v6;
	v6 =	vadd.s32 v6, v34;
	v38, _, _ =	vpop (xrf0)  }
0x17b: {  	v12 =	vadd.s32 v36, v6;
	v6 =	vadd.s32 v6, v37;
	v40, _, _ =	vpop (xrf0);
	v11 =	vadd.s32 v38, v11  }
0x17c: {  	v42 =	vadd.s32 v39, v6;
	v41, _, _ =	vpop (xrf0);
	vm1 =	vlt.s32 v11, $0x7FF;
	v10 =	vadd.s32 v40, v12  }
0x17d: {  	v11 =	vnsel vm1, $0x7FF, v11;
	vm1 =	vlt.s32 v10, $0x7FF;
	v12 =	vadd.s32 v41, v42  }
0x17e: {  	v10 =	vnsel vm1, $0x7FF, v10;
	vm1 =	vlt.s32 v12, $0x7FF  }
0x17f: {  	v12 =	vnsel vm1, $0x7FF, v12;
	_ =	sdelay $0x2  }
0x180: {  	[tilespmem:v11+s14+$0x0] =	vst.idx.msk vm3, v7  }
0x181: {  	[tilespmem:v10+s14+$0x0] =	vst.idx.msk vm10, v8  }
0x182: {  	[tilespmem:v12+s14+$0x0] =	vst.idx.msk vm2, v9  }
0x183: {  	v7 =	vld [tilespmem:s19+$0x90]  }
0x184: {  	v8 =	vld [tilespmem:s19+$0xA0]  }
0x185: {  	v9 =	vld [tilespmem:s19+$0xB0];
	_ =	sdelay $0x2  }
0x186: {  	vm3 =	vge.f32 v7, v5  }
0x187: {  	vm11 =	vge.f32 v8, v5;
	v43 =	vsel vm3, $0x1, v4  }
0x188: {  	vm1 =	vge.f32 v9, v5;
	v44 =	vsel vm11, $0x1, v4;
	(xrf0) =	vadd.scan.msk.s32 $0xffff, v43  }
0x189: {  	v45 =	vsel vm1, $0x1, v4;
	(xrf0) =	vadd.scan.msk.s32 $0xffff, v44  }
0x18a: {  	v46 =	vmpcnt.ones.xlane vm2;
	(xrf0) =	vadd.scan.msk.s32 $0xffff, v45;
	_ =	sdelay $0x1  }
0x18b: {  	v6 =	vadd.s32 v6, v46;
	v47 =	vmpcnt.ones.xlane vm3  }
0x18c: {  	v48 =	vsel vm3, $0xFFFFFFFF, v4;
	v49 =	vsel vm11, $0xFFFFFFFF, v4;
	v50 =	vmpcnt.ones.xlane vm11  }
0x18d: {  	v52 =	vsel vm1, $0xFFFFFFFF, v4;
	v11 =	vadd.s32 v48, v6;
	v6 =	vadd.s32 v6, v47;
	v51, _, _ =	vpop (xrf0)  }
0x18e: {  	v12 =	vadd.s32 v49, v6;
	v6 =	vadd.s32 v6, v50;
	v53, _, _ =	vpop (xrf0);
	v11 =	vadd.s32 v51, v11  }
0x18f: {  	v55 =	vadd.s32 v52, v6;
	v54, _, _ =	vpop (xrf0);
	vm2 =	vlt.s32 v11, $0x7FF;
	v10 =	vadd.s32 v53, v12  }
0x190: {  	v11 =	vnsel vm2, $0x7FF, v11;
	vm2 =	vlt.s32 v10, $0x7FF;
	v12 =	vadd.s32 v54, v55  }
0x191: {  	v10 =	vnsel vm2, $0x7FF, v10;
	vm2 =	vlt.s32 v12, $0x7FF  }
0x192: {  	v12 =	vnsel vm2, $0x7FF, v12;
	_ =	sdelay $0x2  }
0x193: {  	[tilespmem:v11+s14+$0x0] =	vst.idx.msk vm3, v7  }
0x194: {  	[tilespmem:v10+s14+$0x0] =	vst.idx.msk vm11, v8  }
0x195: {  	[tilespmem:v12+s14+$0x0] =	vst.idx.msk vm1, v9  }
0x196: {  	v7 =	vld [tilespmem:s19+$0xC0]  }
0x197: {  	v8 =	vld [tilespmem:s19+$0xD0]  }
0x198: {  	v9 =	vld [tilespmem:s19+$0xE0];
	_ =	sdelay $0x2  }
0x199: {  	vm3 =	vge.f32 v7, v5  }
0x19a: {  	vm12 =	vge.f32 v8, v5;
	v56 =	vsel vm3, $0x1, v4  }
0x19b: {  	vm2 =	vge.f32 v9, v5;
	v57 =	vsel vm12, $0x1, v4;
	(xrf0) =	vadd.scan.msk.s32 $0xffff, v56  }
0x19c: {  	v58 =	vsel vm2, $0x1, v4;
	(xrf0) =	vadd.scan.msk.s32 $0xffff, v57  }
0x19d: {  	v59 =	vmpcnt.ones.xlane vm1;
	(xrf0) =	vadd.scan.msk.s32 $0xffff, v58;
	_ =	sdelay $0x1  }
0x19e: {  	v6 =	vadd.s32 v6, v59;
	v60 =	vmpcnt.ones.xlane vm3  }
0x19f: {  	v61 =	vsel vm3, $0xFFFFFFFF, v4;
	v62 =	vsel vm12, $0xFFFFFFFF, v4;
	v63 =	vmpcnt.ones.xlane vm12  }
0x1a0: {  	v19 =	vsel vm2, $0xFFFFFFFF, v4;
	v11 =	vadd.s32 v61, v6;
	v6 =	vadd.s32 v6, v60;
	v18, _, _ =	vpop (xrf0)  }
0x1a1: {  	v12 =	vadd.s32 v62, v6;
	v6 =	vadd.s32 v6, v63;
	v20, _, _ =	vpop (xrf0);
	v11 =	vadd.s32 v18, v11  }
0x1a2: {  	v22 =	vadd.s32 v19, v6;
	v21, _, _ =	vpop (xrf0);
	vm1 =	vlt.s32 v11, $0x7FF;
	v10 =	vadd.s32 v20, v12  }
0x1a3: {  	v11 =	vnsel vm1, $0x7FF, v11;
	vm1 =	vlt.s32 v10, $0x7FF;
	v12 =	vadd.s32 v21, v22  }
0x1a4: {  	v10 =	vnsel vm1, $0x7FF, v10;
	vm1 =	vlt.s32 v12, $0x7FF  }
0x1a5: {  	v12 =	vnsel vm1, $0x7FF, v12;
	_ =	sdelay $0x2  }
0x1a6: {  	[tilespmem:v11+s14+$0x0] =	vst.idx.msk vm3, v7  }
0x1a7: {  	[tilespmem:v10+s14+$0x0] =	vst.idx.msk vm12, v8  }
0x1a8: {  	[tilespmem:v12+s14+$0x0] =	vst.idx.msk vm2, v9  }
0x1a9: {  	v7 =	vld [tilespmem:s19+$0xF0]  }
0x1aa: {  	v8 =	vld [tilespmem:s19+$0x100]  }
0x1ab: {  	v9 =	vld [tilespmem:s19+$0x110];
	_ =	sdelay $0x2  }
0x1ac: {  	vm3 =	vge.f32 v7, v5  }
0x1ad: {  	vm13 =	vge.f32 v8, v5;
	v23 =	vsel vm3, $0x1, v4  }
0x1ae: {  	vm1 =	vge.f32 v9, v5;
	v24 =	vsel vm13, $0x1, v4;
	(xrf0) =	vadd.scan.msk.s32 $0xffff, v23  }
0x1af: {  	v25 =	vsel vm1, $0x1, v4;
	(xrf0) =	vadd.scan.msk.s32 $0xffff, v24  }
0x1b0: {  	v26 =	vmpcnt.ones.xlane vm2;
	(xrf0) =	vadd.scan.msk.s32 $0xffff, v25;
	_ =	sdelay $0x1  }
0x1b1: {  	v6 =	vadd.s32 v6, v26;
	v27 =	vmpcnt.ones.xlane vm3  }
0x1b2: {  	v28 =	vsel vm3, $0xFFFFFFFF, v4;
	v29 =	vsel vm13, $0xFFFFFFFF, v4;
	v30 =	vmpcnt.ones.xlane vm13  }
0x1b3: {  	v32 =	vsel vm1, $0xFFFFFFFF, v4;
	v11 =	vadd.s32 v28, v6;
	v6 =	vadd.s32 v6, v27;
	v31, _, _ =	vpop (xrf0)  }
0x1b4: {  	v12 =	vadd.s32 v29, v6;
	v6 =	vadd.s32 v6, v30;
	v33, _, _ =	vpop (xrf0);
	v11 =	vadd.s32 v31, v11  }
0x1b5: {  	v35 =	vadd.s32 v32, v6;
	v34, _, _ =	vpop (xrf0);
	vm2 =	vlt.s32 v11, $0x7FF;
	v10 =	vadd.s32 v33, v12  }
0x1b6: {  	v11 =	vnsel vm2, $0x7FF, v11;
	vm2 =	vlt.s32 v10, $0x7FF;
	v12 =	vadd.s32 v34, v35  }
0x1b7: {  	v10 =	vnsel vm2, $0x7FF, v10;
	vm2 =	vlt.s32 v12, $0x7FF  }
0x1b8: {  	v12 =	vnsel vm2, $0x7FF, v12;
	_ =	sdelay $0x2  }
0x1b9: {  	[tilespmem:v11+s14+$0x0] =	vst.idx.msk vm3, v7  }
0x1ba: {  	[tilespmem:v10+s14+$0x0] =	vst.idx.msk vm13, v8  }
0x1bb: {  	[tilespmem:v12+s14+$0x0] =	vst.idx.msk vm1, v9  }
0x1bc: {  	v7 =	vld [tilespmem:s19+$0x120]  }
0x1bd: {  	v8 =	vld [tilespmem:s19+$0x130]  }
0x1be: {  	v9 =	vld [tilespmem:s19+$0x140];
	_ =	sdelay $0x2  }
0x1bf: {  	vm3 =	vge.f32 v7, v5  }
0x1c0: {  	vm14 =	vge.f32 v8, v5;
	v36 =	vsel vm3, $0x1, v4  }
0x1c1: {  	vm2 =	vge.f32 v9, v5;
	v37 =	vsel vm14, $0x1, v4;
	(xrf0) =	vadd.scan.msk.s32 $0xffff, v36  }
0x1c2: {  	v38 =	vsel vm2, $0x1, v4;
	(xrf0) =	vadd.scan.msk.s32 $0xffff, v37  }
0x1c3: {  	v39 =	vmpcnt.ones.xlane vm1;
	(xrf0) =	vadd.scan.msk.s32 $0xffff, v38;
	_ =	sdelay $0x1  }
0x1c4: {  	v6 =	vadd.s32 v6, v39;
	v40 =	vmpcnt.ones.xlane vm3  }
0x1c5: {  	v41 =	vsel vm3, $0xFFFFFFFF, v4;
	v42 =	vsel vm14, $0xFFFFFFFF, v4;
	v43 =	vmpcnt.ones.xlane vm14  }
0x1c6: {  	v45 =	vsel vm2, $0xFFFFFFFF, v4;
	v11 =	vadd.s32 v41, v6;
	v6 =	vadd.s32 v6, v40;
	v44, _, _ =	vpop (xrf0)  }
0x1c7: {  	v12 =	vadd.s32 v42, v6;
	v6 =	vadd.s32 v6, v43;
	v46, _, _ =	vpop (xrf0);
	v11 =	vadd.s32 v44, v11  }
0x1c8: {  	v48 =	vadd.s32 v45, v6;
	v47, _, _ =	vpop (xrf0);
	vm1 =	vlt.s32 v11, $0x7FF;
	v10 =	vadd.s32 v46, v12  }
0x1c9: {  	v11 =	vnsel vm1, $0x7FF, v11;
	vm1 =	vlt.s32 v10, $0x7FF;
	v12 =	vadd.s32 v47, v48  }
0x1ca: {  	v10 =	vnsel vm1, $0x7FF, v10;
	vm1 =	vlt.s32 v12, $0x7FF  }
0x1cb: {  	v12 =	vnsel vm1, $0x7FF, v12;
	_ =	sdelay $0x2  }
0x1cc: {  	[tilespmem:v11+s14+$0x0] =	vst.idx.msk vm3, v7  }
0x1cd: {  	[tilespmem:v10+s14+$0x0] =	vst.idx.msk vm14, v8  }
0x1ce: {  	[tilespmem:v12+s14+$0x0] =	vst.idx.msk vm2, v9  }
0x1cf: {  	v7 =	vld [tilespmem:s19+$0x150]  }
0x1d0: {  	v8 =	vld [tilespmem:s19+$0x160]  }
0x1d1: {  	v9 =	vld [tilespmem:s19+$0x170];
	_ =	sdelay $0x2  }
0x1d2: {  	vm3 =	vge.f32 v7, v5  }
0x1d3: {  	vm15 =	vge.f32 v8, v5;
	v49 =	vsel vm3, $0x1, v4  }
0x1d4: {  	vm1 =	vge.f32 v9, v5;
	v50 =	vsel vm15, $0x1, v4;
	(xrf0) =	vadd.scan.msk.s32 $0xffff, v49  }
0x1d5: {  	v51 =	vsel vm1, $0x1, v4;
	(xrf0) =	vadd.scan.msk.s32 $0xffff, v50  }
0x1d6: {  	v52 =	vmpcnt.ones.xlane vm2;
	(xrf0) =	vadd.scan.msk.s32 $0xffff, v51;
	_ =	sdelay $0x1  }
0x1d7: {  	v6 =	vadd.s32 v6, v52;
	v53 =	vmpcnt.ones.xlane vm3  }
0x1d8: {  	v54 =	vsel vm3, $0xFFFFFFFF, v4;
	v55 =	vsel vm15, $0xFFFFFFFF, v4;
	v56 =	vmpcnt.ones.xlane vm15  }
0x1d9: {  	v58 =	vsel vm1, $0xFFFFFFFF, v4;
	v11 =	vadd.s32 v54, v6;
	v6 =	vadd.s32 v6, v53;
	v57, _, _ =	vpop (xrf0)  }
0x1da: {  	v12 =	vadd.s32 v55, v6;
	v6 =	vadd.s32 v6, v56;
	v59, _, _ =	vpop (xrf0);
	v11 =	vadd.s32 v57, v11  }
0x1db: {  	v61 =	vadd.s32 v58, v6;
	v60, _, _ =	vpop (xrf0);
	vm2 =	vlt.s32 v11, $0x7FF;
	v10 =	vadd.s32 v59, v12  }
0x1dc: {  	v11 =	vnsel vm2, $0x7FF, v11;
	vm2 =	vlt.s32 v10, $0x7FF;
	v12 =	vadd.s32 v60, v61  }
0x1dd: {  	v10 =	vnsel vm2, $0x7FF, v10;
	vm2 =	vlt.s32 v12, $0x7FF  }
0x1de: {  	v12 =	vnsel vm2, $0x7FF, v12;
	_ =	sdelay $0x2  }
0x1df: {  	[tilespmem:v11+s14+$0x0] =	vst.idx.msk vm3, v7  }
0x1e0: {  	[tilespmem:v10+s14+$0x0] =	vst.idx.msk vm15, v8  }
0x1e1: {  	[tilespmem:v12+s14+$0x0] =	vst.idx.msk vm1, v9  }
0x1e2: {  	v7 =	vld [tilespmem:s19+$0x180];
	_ =	sdelay $0x4  }
0x1e3: {  	vm2 =	vge.f32 v7, v5  }
0x1e4: {  	v8 =	vsel vm2, $0x1, v4  }
0x1e5: {  	(xrf0) =	vadd.scan.msk.s32 $0xffff, v8;
	_ =	sdelay $0x2  }
0x1e6: {  	v8 =	vmpcnt.ones.xlane vm1;
	_ =	sdelay $0x1  }
0x1e7: {  	v6 =	vadd.s32 v6, v8;
	v8 =	vsel vm2, $0xFFFFFFFF, v4  }
0x1e8: {  	v8 =	vadd.s32 v8, v6;
	v62, _, _ =	vpop (xrf0)  }
0x1e9: {  	v8 =	vadd.s32 v62, v8  }
0x1ea: {  	vm1 =	vlt.s32 v8, $0x7FF  }
0x1eb: {  	p0 =	sne.s32 s18, $0x31;
	v8 =	vnsel vm1, $0x7FF, v8  }
.Ltmp6:
0x1ec: {  	_ = 	snop;
	(pc) =	sbr.rel @p0 .LBB2_7-.Ltmp6, $3  }
0x1ed: {  	_ = 	snop  }
0x1ee: {  	v63 =	vmpcnt.ones.xlane vm2;
	_ =	sdelay $0x1  }
0x1ef: {  	s18 =	sadd.s32 $0x1, s18;
	v6 =	vadd.s32 v6, v63;
	[tilespmem:v8+s14+$0x0] =	vst.idx.msk vm2, v7  }
0x1f0: {  	v5 =	vxor.u32 $0x80000000, v6  }
0x1f1: {  	(xrf0) =	vmax.scan.msk.u32 $0xffff, v5;
	_ =	sdelay $0x5  }
0x1f2: {  	v5, _, _ =	vpop (xrf0)  }
0x1f3: {  	(v2sf) =	vpush v5, $0xF;
	_ =	sdelay $0xe  }
0x1f4: {  	s18 =	spop (v2sf)  }
0x1f5: {  	s18 =	sxor.u32 $0x80000000, s18  }
0x1f6: {  	p0 =	slt.s32 s18, $0x7F0  }
0x1f7: {  	p1 =	slt.s32 s18, $0xFFFFFFF2;
	s18 =	simm.s32 @!p0 $0x7F0  }
0x1f8: {  	s19 =	sadd.s32 $0xF, s18  }
0x1f9: {  	s20 =	sand.u32 $0xF, s19  }
0x1fa: {  	s31 =	sshra.s32 s19, $0x1F;
	p6 =	sne.s32 s20, $0x0  }
.Ltmp7:
0x1fb: {  	s20 =	sshrl.u32 s31, $0x1C;
	p0 =	por !p1, !p6;
	(pc) =	sbr.rel .LBB2_9-.Ltmp7, $4  }
0x1fc: {  	s19 =	sadd.s32 s20, s19;
	s20 =	simm.s32 $0x1;
	p0 =	por !p0, !p0  }
0x1fd: {  	s19 =	sshra.s32 s19, $0x4;
	s20 =	simm.s32 @!p0 $0x0  }
0x1fe: {  	[tilespmem:s18+$0x18700] =	vst v1;
	s18 =	ssub.s32 s19, s20  }
0x1ff: {  	[tilespmem:$0x190B0] =	vst v1;
	s19 =	simm.s32 $0x0;
	p0 =	slt.s32 s18, $0x1  }
.LBB2_16:
0x200: {  	[tilespmem:s20+$0x0] =	vst v6  }
.LBB2_17:
0x201: {  	s19 =	sadd.s32 $0x1, s19  }
0x202: {  	p1 =	sne.s32 s19, $0x32  }
.Ltmp8:
0x203: {  	_ = 	snop;
	(pc) =	sbr.rel @!p1 .LBB2_18-.Ltmp8, $1  }
0x204: {  	_ =	sdelay $0x3  }
.LBB2_9:
.Ltmp9:
0x205: {  	(pc) =	sbr.rel @p0 .LBB2_13-.Ltmp9, $2  }
0x206: {  	_ =	sdelay $0x2  }
0x207: {  	v5 =	vimm.f32 $-Inf;
	s20 =	simm.s32 $0x18700  }
0x208: {  	p1 =	sne.s32 s18, $0x1  }
.Ltmp10:
0x209: {  	_ = 	snop;
	(pc) =	sbr.rel @!p1 .LBB2_12-.Ltmp10, $2  }
0x20a: {  	_ =	sdelay $0x2  }
0x20b: {  	s21 =	sadd.s32 $0xFFFFFFFF, s18;
	v6 =	vld [tilespmem:s20+$0x0]  }
.LBB2_11:
0x20c: {  	p1 =	sne.s32 s21, $0x1  }
.Ltmp11:
0x20d: {  	_ = 	snop;
	(pc) =	sbr.rel @p1 .LBB2_11-.Ltmp11, $3  }
0x20e: {  	_ =	sdelay $0x1  }
0x20f: {  	s21 =	sadd.s32 $0xFFFFFFFF, s21;
	s20 =	sadd.s32 $0x10, s20;
	v5 =	vmax.f32 v5, v6  }
0x210: {  	v6 =	vld [tilespmem:s20+$0x0]  }
.LBB2_12:
0x211: {  	_ =	sdelay $0x3  }
0x212: {  	v5 =	vmax.f32 v5, v6  }
.LBB2_13:
0x213: {  	(xrf0) =	vmax.scan.msk.f32 $0xffff, v5;
	_ =	sdelay $0x2  }
0x214: {  	s20 =	sand.u32 $0x30, s19  }
0x215: {  	v6 =	vld [tilespmem:s20+$0x19080];
	_ =	sdelay $0x1  }
.Ltmp12:
0x216: {  	s21 =	sand.u32 $0xF, s19;
	v5, _, _ =	vpop (xrf0);
	(pc) =	sbr.rel @p0 .LBB2_17-.Ltmp12, $4  }
0x217: {  	v7 =	vmov s21;
	v5 =	vbroadcast v5, $0xF  }
0x218: {  	vm1 =	veq.s32 v7, v3  }
0x219: {  	v6 =	vsel vm1, v5, v6  }
0x21a: {  	[tilespmem:s20+$0x19080] =	vst v6;
	s20 =	simm.s32 $0x18700  }
0x21b: {  	v6 =	vld [tilespmem:s20+$0x0];
	_ =	sdelay $0x4  }
0x21c: {  	p1 =	sne.s32 s18, $0x1;
	vm1 =	veq.f32 v6, v5  }
.Ltmp13:
0x21d: {  	v7 =	vmctz.xlane vm1;
	(pc) =	sbr.rel @!p1 .LBB2_16-.Ltmp13, $4  }
0x21e: {  	_ = 	snop  }
0x21f: {  	vm1 =	vne.s32 v7, v3  }
0x220: {  	vm2 =	vlt.s32 v7, $0x10;
	vm3 =	vmor vm0, vm1  }
0x221: {  	s21 =	sadd.s32 $0xFFFFFFFF, s18;
	vm1 =	vmor vm0, vm2;
	v6 =	vnsel vm3, $0xFF800000, v6  }
.LBB2_15:
0x222: {  	p1 =	sne.s32 s21, $0x1;
	s21 =	sadd.s32 $0xFFFFFFFF, s21;
	[tilespmem:s20+$0x0] =	vst v6;
	s20 =	sadd.s32 $0x10, s20  }
0x223: {  	v6 =	vld [tilespmem:s20+$0x0];
	_ =	sdelay $0x4  }
0x224: {  	vm2 =	veq.f32 v6, v5  }
.Ltmp14:
0x225: {  	v7 =	vmctz.xlane vm2;
	(pc) =	sbr.rel @p1 .LBB2_15-.Ltmp14, $4  }
0x226: {  	_ = 	snop  }
0x227: {  	vm2 =	vlt.s32 v7, $0x10;
	vm3 =	vne.s32 v7, v3  }
0x228: {  	vm3 =	vmor vm1, vm3;
	vm1 =	vmor vm1, vm2  }
0x229: {  	v6 =	vnsel vm3, $0xFF800000, v6  }
.Ltmp15:
0x22a: {  	_ = 	snop;
	(pc) =	sbr.rel .LBB2_16-.Ltmp15, $1  }
0x22b: {  	_ =	sdelay $0x3  }
.LBB2_20:
0x22c: {  	_ =	sfence.sel $0x180000  }
0x22d: {  	[bflag:$0x0] =	sbarrier.arrive $0xFFFF  }
0x22e: {  	p0 =	sne.s32 s3, $0x0;
	_ =	strace $0x90000047  }
0x22f: {  	s0 =	sadd.s32 @!p0 $0x100000, s0;
	[bflag:$0x2] =	sbarrier.arrive $0xFFFF  }
0x230: {  	[sflag:s0] =	ssyncadd.tile.s32 @!p0 $0x1;
	_ =	shalt  }
.Lfunc_end2:
_tile_overlayer_lowered:
.L_overlay_start_2:
0x231: {  	(tag) =	ssettag $0x2  }
0x232: {  	s0 =	rddreg [dreg:$0x0];
	s2 =	stileid.u32  }
0x233: {  	s1 =	rddreg [dreg:$0x1];
	p0 =	sne.s32 s2, $0x0  }
0x234: {  	s3 =	rddreg [dreg:$0x2];
	[bflag:$0x3] =	sbarrier.arrive $0xFFFF;
	s2 =	simm.s32 @!p0 $0x1C01  }
0x235: {  	[timem:s3], [sflag:s2] =	dma.local @!p0 [hbm:s0], s1  }
0x236: {  	s0 =	simm.s32 @!p0 $0x1  }
0x237: {  	_ =	swait.ge @!p0 [sflag:s0], s1  }
0x238: {  	s1 =	ssub.s32 @!p0 $0x0, s1;
	[sflag:s0] =	ssyncset.done @!p0 $0x0  }
0x239: {  	[sflag:s0] =	ssyncadd.s32 @!p0 s1  }
0x23a: {  	[bflag:$0x3] =	sbarrier.arrive $0xFFFF  }
0x23b: {  	_ =	shalt  }

</sc_bundles>
